<compile_context>
chip_gen: v7x
topology: tpu7x:2x2x1
jax: 0.10.2.dev20260603
libtpu: 0.0.44.dev20260713+nightly
codegen_flags: <defaults>
</compile_context>

<pallas_src>
import functools
import numpy as np
import jax
import jax.numpy as jnp
from jax import lax
from jax.experimental import pallas as pl
from jax.experimental.pallas import tpu as pltpu
from jax.experimental.pallas import tpu_sc as plsc

Vth = 0.2
tau = 0.25
alpha = 1.0
eps = 1e-5
T = 16
C = 16
NPIX = 8192
PB = 1024
NB = 8
K = 8192
CB = 2048
NCB = K // CB

COEF = [float(v) for v in np.power(0.8, np.arange(T - 1, -1, -1, dtype=np.float64)).astype(np.float32)]


def _dist_body(fx_ref, e_ref, e2_ref, idx_ref, bd, bi):
    cb = pl.program_id(1)

    @pl.when(cb == 0)
    def _init():
        bd[...] = jnp.full((PB, 1), jnp.inf, jnp.float32)
        bi[...] = jnp.zeros((PB, 1), jnp.int32)

    e = e_ref[...]
    e2 = e2_ref[...].reshape(1, CB)
    m2 = 2.0 * fx_ref[...]
    dims = (((1,), (1,)), ((), ()))
    prod = lax.dot_general(m2, e, dims, preferred_element_type=jnp.float32)
    d = e2 - prod
    mins = jnp.min(d, axis=1, keepdims=True)
    ii = lax.broadcasted_iota(jnp.int32, (PB, CB), 1)
    li = jnp.min(jnp.where(d == mins, ii, jnp.int32(2**31 - 1)),
                 axis=1, keepdims=True) + cb * CB
    upd = mins < bd[...]
    bi[...] = jnp.where(upd, li, bi[...])
    bd[...] = jnp.minimum(mins, bd[...])

    @pl.when(cb == NCB - 1)
    def _fin():
        idx_ref[...] = bi[...]


def _distance_call(fx4, embeddings, e2):
    return pl.pallas_call(
        _dist_body,
        grid=(NB, NCB),
        in_specs=[
            pl.BlockSpec((PB, C), lambda b, cb: (b, 0)),
            pl.BlockSpec((CB, C), lambda b, cb: (cb, 0)),
            pl.BlockSpec((CB,), lambda b, cb: (cb,)),
        ],
        out_specs=pl.BlockSpec((PB, 1), lambda b, cb: (b, 0)),
        out_shape=jax.ShapeDtypeStruct((NPIX, 1), jnp.int32),
        scratch_shapes=[
            pltpu.VMEM((PB, 1), jnp.float32),
            pltpu.VMEM((PB, 1), jnp.int32),
        ],
    )(fx4, embeddings, e2)


def _sc_gather(table, idx_flat):
    info = plsc.get_sparse_core_info()
    nc, ns = info.num_cores, info.num_subcores
    nw = nc * ns
    bpw = NPIX // nw
    mesh = plsc.VectorSubcoreMesh(core_axis_name="c", subcore_axis_name="s")

    chunk = 128
    @functools.partial(
        pl.kernel, mesh=mesh,
        out_type=jax.ShapeDtypeStruct((NPIX, C), jnp.float32),
        scratch_types=[
            pltpu.VMEM((chunk,), jnp.int32),
            pltpu.VMEM((chunk, C), jnp.float32),
            pltpu.SemaphoreType.DMA,
        ],
        compiler_params=pltpu.CompilerParams(use_tc_tiling_on_sc=False),
    )
    def k(table_hbm, idx_hbm, out_hbm, idx_v, rows_v, sem):
        wid = lax.axis_index("s") * nc + lax.axis_index("c")
        base = wid * bpw
        for j in range(bpw // chunk):
            pltpu.sync_copy(idx_hbm.at[pl.ds(base + j * chunk, chunk)], idx_v)
            pltpu.async_copy(table_hbm.at[idx_v], rows_v, sem).wait()
            pltpu.sync_copy(rows_v, out_hbm.at[pl.ds(base + j * chunk, chunk)])

    return k(table, idx_flat)


def _epi_body(q_ref, fxm_ref, xT_ref, cw_ref, cbias_ref, bw_ref, bb_ref,
              out_ref, loss_ref, chs, chq, m1, m2):
    p = pl.program_id(0)
    b = pl.program_id(1)
    q = q_ref[0]
    y = lax.dot_general(cw_ref[...], q, (((1,), (1,)), ((), ())),
                        preferred_element_type=jnp.float32) + cbias_ref[...]

    @pl.when((p == 0) & (b == 0))
    def _init():
        chs[...] = jnp.zeros((C, 1), jnp.float32)
        chq[...] = jnp.zeros((C, 1), jnp.float32)
        m1[...] = jnp.zeros((1, 1), jnp.float32)
        m2[...] = jnp.zeros((1, 1), jnp.float32)
        loss_ref[...] = jnp.zeros((8, 128), jnp.float32)

    @pl.when(p == 0)
    def _stats():
        chs[...] += jnp.sum(y, axis=1, keepdims=True)
        chq[...] += jnp.sum(y * y, axis=1, keepdims=True)
        d1 = q - fxm_ref[...]
        m1[...] += jnp.sum(d1 * d1, keepdims=True)

    @pl.when(p == 1)
    def _spike():
        mean = chs[...] * (1.0 / NPIX)
        var = chq[...] * (1.0 / NPIX) - mean * mean
        zn = ((alpha * Vth) * (y - mean) * lax.rsqrt(var + eps)
              * bw_ref[...] + bb_ref[...])
        u = zn
        o = (u > Vth).astype(jnp.float32)
        acc = None
        for t in range(T):
            if t > 0:
                u = tau * u * (1.0 - o) + zn
                o = (u > Vth).astype(jnp.float32)
            out_ref[0, :, t, :] = o
            df = o - xT_ref[0, :, t, :]
            acc = df * df if acc is None else acc + df * df
        m2[...] += jnp.sum(acc, keepdims=True)

        @pl.when(b == NB - 1)
        def _loss():
            val = 1.5 * m1[...] * (1.0 / (NPIX * C)) + m2[...] * (1.0 / (NPIX * C * T))
            loss_ref[...] = jnp.broadcast_to(val, (8, 128))


def _epi_call(q3, fxm, xT, conv_w, conv_b, bn_w, bn_b):
    return pl.pallas_call(
        _epi_body,
        grid=(2, NB),
        in_specs=[
            pl.BlockSpec((1, PB, C), lambda p, b: (b, 0, 0)),
            pl.BlockSpec((PB, C), lambda p, b: (b, 0)),
            pl.BlockSpec((1, C, T, PB), lambda p, b: (b * p, 0, 0, 0)),
            pl.BlockSpec((C, C), lambda p, b: (0, 0)),
            pl.BlockSpec((C, 1), lambda p, b: (0, 0)),
            pl.BlockSpec((C, 1), lambda p, b: (0, 0)),
            pl.BlockSpec((C, 1), lambda p, b: (0, 0)),
        ],
        out_specs=[
            pl.BlockSpec((1, C, T, PB), lambda p, b: (b * p, 0, 0, 0)),
            pl.BlockSpec((8, 128), lambda p, b: (0, 0)),
        ],
        out_shape=[
            jax.ShapeDtypeStruct((NB, C, T, PB), jnp.float32),
            jax.ShapeDtypeStruct((8, 128), jnp.float32),
        ],
        scratch_shapes=[
            pltpu.VMEM((C, 1), jnp.float32),
            pltpu.VMEM((C, 1), jnp.float32),
            pltpu.VMEM((1, 1), jnp.float32),
            pltpu.VMEM((1, 1), jnp.float32),
        ],
    )(q3, fxm, xT, conv_w, conv_b, bn_w, bn_b)


def kernel(x, embeddings, conv_w, conv_b, bn_w, bn_b):
    B, Cc, H, W, Tt = x.shape
    xT = x.reshape(B, Cc, H * W, Tt).transpose(0, 1, 3, 2)
    coef = jnp.power(0.8, jnp.arange(Tt - 1, -1, -1).astype(jnp.float32))
    xm = jnp.sum(x * coef, axis=-1)
    flat_x = jnp.transpose(xm, (0, 2, 3, 1)).reshape(-1, Cc)
    e2 = jnp.sum(embeddings ** 2, axis=1)
    idx3 = _distance_call(flat_x, embeddings, e2)
    q = _sc_gather(embeddings, idx3.reshape(NPIX))
    outT, loss = _epi_call(q.reshape(NB, PB, C), flat_x, xT, conv_w,
                           conv_b.reshape(C, 1), bn_w.reshape(C, 1),
                           bn_b.reshape(C, 1))
    qout = outT.transpose(0, 1, 3, 2).reshape(B, Cc, H, W, Tt)
    return qout, loss[0, 0]

# --- scband reference (transcript-rebuilt; emitter-appended) ---
"""Pipeline reference for scband-vector-quantizer-20770461844007 (READ-ONLY COPY).

The authoritative reference and input builder live on the scoring server;
editing this copy changes nothing except your own understanding.
"""

import jax, jax.numpy as jnp
import numpy as np

Vth = 0.2
tau = 0.25
aa = 0.5
alpha = 1.0
eps = 1e-5
T = 16

@jax.custom_vjp
def spike(u):
    return (u > Vth).astype(u.dtype)

def _spike_fwd(u):
    return spike(u), u

def _spike_bwd(u, g):
    hu = (jnp.abs(u - Vth) < aa).astype(g.dtype) / (2.0 * aa)
    return (g * hu,)

spike.defvjp(_spike_fwd, _spike_bwd)

def lif_spike(x):
    # x: [B, C, H, W, T]; LIF membrane update with hard reset gating
    u = jnp.zeros(x.shape[:-1], x.dtype)
    o = jnp.zeros(x.shape[:-1], x.dtype)
    outs = []
    for t in range(x.shape[-1]):
        u = tau * u * (1.0 - o) + x[..., t]
        o = spike(u)
        outs.append(o)
    return jnp.stack(outs, axis=-1)

def td_batchnorm(x, w, b):
    # threshold-dependent BN over (N, H, W, T) per channel (training-mode batch stats)
    mean = jnp.mean(x, axis=(0, 2, 3, 4), keepdims=True)
    var = jnp.var(x, axis=(0, 2, 3, 4), keepdims=True)
    xh = alpha * Vth * (x - mean) / jnp.sqrt(var + eps)
    return xh * w[None, :, None, None, None] + b[None, :, None, None, None]

def poisson(x, conv_w, conv_b, bn_w, bn_b):
    # tdConv: 1x1 conv applied identically at every time step, then tdBN, then LIF spike
    y = jnp.einsum('bchwt,oc->bohwt', x, conv_w) + conv_b[None, :, None, None, None]
    y = td_batchnorm(y, bn_w, bn_b)
    return lif_spike(y)

def membrane_output(x):
    # MembraneOutputLayer: weighted sum over time, coef[t] = 0.8**(T-1-t)
    coef = jnp.power(0.8, jnp.arange(T - 1, -1, -1).astype(x.dtype))
    return jnp.sum(x * coef, axis=-1)

def setup_inputs(seed: int = 0):
    key = jax.random.key(seed)
    k1, k2, k3, k4 = jax.random.split(key, 4)
    x = jax.random.uniform(k1, (8, 16, 32, 32, 16), dtype=jnp.float32)
    embeddings = jax.random.normal(k2, (8192, 16), dtype=jnp.float32)
    bound = 1.0 / np.sqrt(16.0)
    conv_w = jax.random.uniform(k3, (16, 16), minval=-bound, maxval=bound, dtype=jnp.float32)
    conv_b = jax.random.uniform(k4, (16,), minval=-bound, maxval=bound, dtype=jnp.float32)
    bn_w = jnp.ones((16,), jnp.float32)
    bn_b = jnp.zeros((16,), jnp.float32)
    return {"x": x, "embeddings": embeddings, "conv_w": conv_w, "conv_b": conv_b, "bn_w": bn_w, "bn_b": bn_b}

def reference(x, embeddings, conv_w, conv_b, bn_w, bn_b):
    commitment_cost = 0.25
    x_memout = membrane_output(x)               # [B, C, H, W]
    x_m = jnp.transpose(x_memout, (0, 2, 3, 1))  # [B, H, W, C]
    B, H, W, C = x_m.shape
    flat_x = x_m.reshape(-1, C)
    distances = (jnp.sum(flat_x ** 2, axis=1, keepdims=True)
                 + jnp.sum(embeddings ** 2, axis=1)[None, :]
                 - 2.0 * flat_x @ embeddings.T)
    idx = jnp.argmin(distances, axis=1)
    quantized = jnp.take(embeddings, idx, axis=0).reshape(B, H, W, C)
    q_latent_loss = jnp.mean((quantized - jax.lax.stop_gradient(x_m)) ** 2)
    e_latent_loss = jnp.mean((x_m - jax.lax.stop_gradient(quantized)) ** 2)
    loss_1 = q_latent_loss + commitment_cost * e_latent_loss
    quantized = x_m + jax.lax.stop_gradient(quantized - x_m)
    quantized = jnp.transpose(quantized, (0, 3, 1, 2))
    quantized = jnp.repeat(quantized[..., None], T, axis=4)  # [B, C, H, W, T]
    quantized = poisson(quantized, conv_w, conv_b, bn_w, bn_b)
    q_latent_loss_2 = jnp.mean((quantized - jax.lax.stop_gradient(x)) ** 2)
    e_latent_loss_2 = jnp.mean((x - jax.lax.stop_gradient(quantized)) ** 2)  # computed but unused (faithful to original)
    quantized_out = x + jax.lax.stop_gradient(quantized - x)
    loss_2 = q_latent_loss_2 + commitment_cost * e_latent_loss  # original uses e_latent_loss (bug kept)
    return (quantized_out, loss_1 + loss_2)

if __name__ == "__main__":
    import jax
    _d = setup_inputs()
    print(jax.jit(kernel)(*tuple(_d.values())))

</pallas_src>

<mosaic_0001>
#map = affine_map<(d0, d1) -> (0, 0)>
#map1 = affine_map<(d0, d1) -> (0)>
module attributes {stable_mosaic.version = 14 : i64} {
  func.func @k(%arg0: i32, %arg1: i32, %arg2: memref<8192x16xf32, #tpu.memory_space<hbm>>, %arg3: memref<8192xi32, #tpu.memory_space<hbm>>, %arg4: memref<8192x16xf32, #tpu.memory_space<hbm>>, %arg5: memref<128xi32, #tpu.memory_space<vmem>>, %arg6: memref<128x16xf32, #tpu.memory_space<vmem>>, %arg7: memref<!tpu.dma_semaphore, #tpu.memory_space<semaphore_mem>>) attributes {dimension_semantics = [#tpu.dimension_semantics<core_parallel>, #tpu.dimension_semantics<subcore_parallel>], iteration_bounds = array<i64: 2, 16>, scalar_prefetch = 0 : i64, scratch_operands = 3 : i64, tpu.core_type = #tpu.core_type<sc_vector_subcore>, window_params = [{transform_indices = #map}, {transform_indices = #map1}, {transform_indices = #map}]} {
    %mul3A = arith.constant 2 : i32
    %mul3A_0 = arith.muli %arg1, %mul3A : i32
    %add3A = arith.addi %mul3A_0, %arg0 : i32
    %mul3A_1 = arith.constant 256 : i32
    %mul3A_2 = arith.muli %add3A, %mul3A_1 : i32
    %add3A_3 = arith.constant 0 : i32
    %add3A_4 = arith.addi %mul3A_2, %add3A_3 : i32
    "tpu.region"() ({
      %run_scoped3A = tpu.sem_alloc : memref<!tpu.dma_semaphore, #tpu.memory_space<semaphore_mem>>
      %dma_start3A_21 = tpu.memref_slice %arg3[%add3A_4] : memref<8192xi32, #tpu.memory_space<hbm>> -> memref<128xi32, #tpu.memory_space<hbm>>
      %dma_start3A_22 = tpu.memref_slice %arg3[%add3A_4] : memref<8192xi32, #tpu.memory_space<hbm>> -> memref<128xi32, #tpu.memory_space<hbm>>
      tpu.enqueue_dma source(%dma_start3A_22 : memref<128xi32, #tpu.memory_space<hbm>>) target(%arg5 : memref<128xi32, #tpu.memory_space<vmem>>) target_semaphore(%run_scoped3A : memref<!tpu.dma_semaphore, #tpu.memory_space<semaphore_mem>>)
      %dma_wait3A_23 = tpu.memref_slice %arg3[%add3A_4] : memref<8192xi32, #tpu.memory_space<hbm>> -> memref<128xi32, #tpu.memory_space<hbm>>
      %dma_wait3A_24 = tpu.memref_slice %arg3[%add3A_4] : memref<8192xi32, #tpu.memory_space<hbm>> -> memref<128xi32, #tpu.memory_space<hbm>>
      tpu.wait_dma2 semaphore(%run_scoped3A : memref<!tpu.dma_semaphore, #tpu.memory_space<semaphore_mem>>) src(%dma_wait3A_24 : memref<128xi32, #tpu.memory_space<hbm>>) dst(%arg5 : memref<128xi32, #tpu.memory_space<vmem>>)
      tpu.yield
    }) : () -> ()
    %dma_start3A = arith.constant 0 : i32
    %dma_start3A_5 = arith.constant 0 : i32
    %dma_start3A_6 = tpu.memref_slice %arg2[%dma_start3A, %dma_start3A_5] : memref<8192x16xf32, #tpu.memory_space<hbm>> -> memref<8192x16xf32, #tpu.memory_space<hbm>>
    tpu.enqueue_indirect_dma source(%dma_start3A_6 : memref<8192x16xf32, #tpu.memory_space<hbm>>) target(%arg6 : memref<128x16xf32, #tpu.memory_space<vmem>>) offsets(%arg5 : memref<128xi32, #tpu.memory_space<vmem>>) semaphore(%arg7 : memref<!tpu.dma_semaphore, #tpu.memory_space<semaphore_mem>>)
    %dma_wait3A = arith.constant 0 : i32
    %dma_wait3A_7 = arith.constant 0 : i32
    %dma_wait3A_8 = tpu.memref_slice %arg2[%dma_wait3A, %dma_wait3A_7] : memref<8192x16xf32, #tpu.memory_space<hbm>> -> memref<8192x16xf32, #tpu.memory_space<hbm>>
    tpu.wait_indirect_dma semaphore(%arg7 : memref<!tpu.dma_semaphore, #tpu.memory_space<semaphore_mem>>) src(%dma_wait3A_8 : memref<8192x16xf32, #tpu.memory_space<hbm>>) dst(%arg6 : memref<128x16xf32, #tpu.memory_space<vmem>>)
    %add3A_9 = arith.constant 0 : i32
    %add3A_10 = arith.addi %mul3A_2, %add3A_9 : i32
    "tpu.region"() ({
      %run_scoped3A = tpu.sem_alloc : memref<!tpu.dma_semaphore, #tpu.memory_space<semaphore_mem>>
      %dma_start3A_21 = arith.constant 0 : i32
      %dma_start3A_22 = tpu.memref_slice %arg4[%add3A_10, %dma_start3A_21] : memref<8192x16xf32, #tpu.memory_space<hbm>> -> memref<128x16xf32, #tpu.memory_space<hbm>>
      %dma_start3A_23 = arith.constant 0 : i32
      %dma_start3A_24 = tpu.memref_slice %arg4[%add3A_10, %dma_start3A_23] : memref<8192x16xf32, #tpu.memory_space<hbm>> -> memref<128x16xf32, #tpu.memory_space<hbm>>
      tpu.enqueue_dma source(%arg6 : memref<128x16xf32, #tpu.memory_space<vmem>>) target(%dma_start3A_24 : memref<128x16xf32, #tpu.memory_space<hbm>>) target_semaphore(%run_scoped3A : memref<!tpu.dma_semaphore, #tpu.memory_space<semaphore_mem>>)
      %dma_wait3A_25 = arith.constant 0 : i32
      %dma_wait3A_26 = tpu.memref_slice %arg4[%add3A_10, %dma_wait3A_25] : memref<8192x16xf32, #tpu.memory_space<hbm>> -> memref<128x16xf32, #tpu.memory_space<hbm>>
      %dma_wait3A_27 = arith.constant 0 : i32
      %dma_wait3A_28 = tpu.memref_slice %arg4[%add3A_10, %dma_wait3A_27] : memref<8192x16xf32, #tpu.memory_space<hbm>> -> memref<128x16xf32, #tpu.memory_space<hbm>>
      tpu.wait_dma2 semaphore(%run_scoped3A : memref<!tpu.dma_semaphore, #tpu.memory_space<semaphore_mem>>) src(%arg6 : memref<128x16xf32, #tpu.memory_space<vmem>>) dst(%dma_wait3A_28 : memref<128x16xf32, #tpu.memory_space<hbm>>)
      tpu.yield
    }) : () -> ()
    %add3A_11 = arith.constant 128 : i32
    %add3A_12 = arith.addi %mul3A_2, %add3A_11 : i32
    "tpu.region"() ({
      %run_scoped3A = tpu.sem_alloc : memref<!tpu.dma_semaphore, #tpu.memory_space<semaphore_mem>>
      %dma_start3A_21 = tpu.memref_slice %arg3[%add3A_12] : memref<8192xi32, #tpu.memory_space<hbm>> -> memref<128xi32, #tpu.memory_space<hbm>>
      %dma_start3A_22 = tpu.memref_slice %arg3[%add3A_12] : memref<8192xi32, #tpu.memory_space<hbm>> -> memref<128xi32, #tpu.memory_space<hbm>>
      tpu.enqueue_dma source(%dma_start3A_22 : memref<128xi32, #tpu.memory_space<hbm>>) target(%arg5 : memref<128xi32, #tpu.memory_space<vmem>>) target_semaphore(%run_scoped3A : memref<!tpu.dma_semaphore, #tpu.memory_space<semaphore_mem>>)
      %dma_wait3A_23 = tpu.memref_slice %arg3[%add3A_12] : memref<8192xi32, #tpu.memory_space<hbm>> -> memref<128xi32, #tpu.memory_space<hbm>>
      %dma_wait3A_24 = tpu.memref_slice %arg3[%add3A_12] : memref<8192xi32, #tpu.memory_space<hbm>> -> memref<128xi32, #tpu.memory_space<hbm>>
      tpu.wait_dma2 semaphore(%run_scoped3A : memref<!tpu.dma_semaphore, #tpu.memory_space<semaphore_mem>>) src(%dma_wait3A_24 : memref<128xi32, #tpu.memory_space<hbm>>) dst(%arg5 : memref<128xi32, #tpu.memory_space<vmem>>)
      tpu.yield
    }) : () -> ()
    %dma_start3A_13 = arith.constant 0 : i32
    %dma_start3A_14 = arith.constant 0 : i32
    %dma_start3A_15 = tpu.memref_slice %arg2[%dma_start3A_13, %dma_start3A_14] : memref<8192x16xf32, #tpu.memory_space<hbm>> -> memref<8192x16xf32, #tpu.memory_space<hbm>>
    tpu.enqueue_indirect_dma source(%dma_start3A_15 : memref<8192x16xf32, #tpu.memory_space<hbm>>) target(%arg6 : memref<128x16xf32, #tpu.memory_space<vmem>>) offsets(%arg5 : memref<128xi32, #tpu.memory_space<vmem>>) semaphore(%arg7 : memref<!tpu.dma_semaphore, #tpu.memory_space<semaphore_mem>>)
    %dma_wait3A_16 = arith.constant 0 : i32
    %dma_wait3A_17 = arith.constant 0 : i32
    %dma_wait3A_18 = tpu.memref_slice %arg2[%dma_wait3A_16, %dma_wait3A_17] : memref<8192x16xf32, #tpu.memory_space<hbm>> -> memref<8192x16xf32, #tpu.memory_space<hbm>>
    tpu.wait_indirect_dma semaphore(%arg7 : memref<!tpu.dma_semaphore, #tpu.memory_space<semaphore_mem>>) src(%dma_wait3A_18 : memref<8192x16xf32, #tpu.memory_space<hbm>>) dst(%arg6 : memref<128x16xf32, #tpu.memory_space<vmem>>)
    %add3A_19 = arith.constant 128 : i32
    %add3A_20 = arith.addi %mul3A_2, %add3A_19 : i32
    "tpu.region"() ({
      %run_scoped3A = tpu.sem_alloc : memref<!tpu.dma_semaphore, #tpu.memory_space<semaphore_mem>>
      %dma_start3A_21 = arith.constant 0 : i32
      %dma_start3A_22 = tpu.memref_slice %arg4[%add3A_20, %dma_start3A_21] : memref<8192x16xf32, #tpu.memory_space<hbm>> -> memref<128x16xf32, #tpu.memory_space<hbm>>
      %dma_start3A_23 = arith.constant 0 : i32
      %dma_start3A_24 = tpu.memref_slice %arg4[%add3A_20, %dma_start3A_23] : memref<8192x16xf32, #tpu.memory_space<hbm>> -> memref<128x16xf32, #tpu.memory_space<hbm>>
      tpu.enqueue_dma source(%arg6 : memref<128x16xf32, #tpu.memory_space<vmem>>) target(%dma_start3A_24 : memref<128x16xf32, #tpu.memory_space<hbm>>) target_semaphore(%run_scoped3A : memref<!tpu.dma_semaphore, #tpu.memory_space<semaphore_mem>>)
      %dma_wait3A_25 = arith.constant 0 : i32
      %dma_wait3A_26 = tpu.memref_slice %arg4[%add3A_20, %dma_wait3A_25] : memref<8192x16xf32, #tpu.memory_space<hbm>> -> memref<128x16xf32, #tpu.memory_space<hbm>>
      %dma_wait3A_27 = arith.constant 0 : i32
      %dma_wait3A_28 = tpu.memref_slice %arg4[%add3A_20, %dma_wait3A_27] : memref<8192x16xf32, #tpu.memory_space<hbm>> -> memref<128x16xf32, #tpu.memory_space<hbm>>
      tpu.wait_dma2 semaphore(%run_scoped3A : memref<!tpu.dma_semaphore, #tpu.memory_space<semaphore_mem>>) src(%arg6 : memref<128x16xf32, #tpu.memory_space<vmem>>) dst(%dma_wait3A_28 : memref<128x16xf32, #tpu.memory_space<hbm>>)
      tpu.yield
    }) : () -> ()
    return
  }
}

module attributes {stable_mosaic.version = 14 : i64} {
  func.func @_dist_body(%arg0: i32, %arg1: i32, %arg2: memref<1024x16xf32, #tpu.memory_space<vmem>>, %arg3: memref<2048x16xf32, #tpu.memory_space<vmem>>, %arg4: memref<2048xf32, #tpu.memory_space<vmem>>, %arg5: memref<1024x1xi32, #tpu.memory_space<vmem>>, %arg6: memref<1024x1xf32, #tpu.memory_space<vmem>>, %arg7: memref<1024x1xi32, #tpu.memory_space<vmem>>) attributes {dimension_semantics = [#tpu.dimension_semantics<arbitrary>, #tpu.dimension_semantics<arbitrary>], iteration_bounds = array<i64: 8, 4>, scalar_prefetch = 0 : i64, scratch_operands = 2 : i64, tpu.core_type = #tpu.core_type<tc>, window_params = [{transform_indices = @transform_0, window_bounds = array<i64: 1024, 16>}, {transform_indices = @transform_1, window_bounds = array<i64: 2048, 16>}, {transform_indices = @transform_2, window_bounds = array<i64: 2048>}, {transform_indices = @transform_3, window_bounds = array<i64: 1024, 1>}]} {
    %eq3A = arith.constant 0 : i32
    %eq3A_0 = arith.cmpi eq, %arg1, %eq3A : i32
    %convert_element_type3A = arith.extui %eq3A_0 : i1 to i32
    %cond3A = arith.constant 0 : i32
    %cond3A_1 = arith.cmpi ne, %convert_element_type3A, %cond3A : i32
    scf.if %cond3A_1 {
      %broadcast_in_dim3A_43 = arith.constant 0x7F800000 : f32
      %broadcast_in_dim3A_44 = vector.broadcast %broadcast_in_dim3A_43 : f32 to vector<1024x1xf32>
      %swap3A_45 = arith.constant 0 : index
      %swap3A_46 = arith.constant 0 : index
      %swap3A_47 = vector.load %arg6[%swap3A_45, %swap3A_46] : memref<1024x1xf32, #tpu.memory_space<vmem>>, vector<1024x1xf32>
      tpu.vector_store %arg6[%swap3A_45, %swap3A_46], %broadcast_in_dim3A_44 {strides = array<i32>} : memref<1024x1xf32, #tpu.memory_space<vmem>>, vector<1024x1xf32>,
      %broadcast_in_dim3A_48 = arith.constant 0 : i32
      %broadcast_in_dim3A_49 = vector.broadcast %broadcast_in_dim3A_48 : i32 to vector<1024x1xi32>
      %swap3A_50 = arith.constant 0 : index
      %swap3A_51 = arith.constant 0 : index
      %swap3A_52 = vector.load %arg7[%swap3A_50, %swap3A_51] : memref<1024x1xi32, #tpu.memory_space<vmem>>, vector<1024x1xi32>
      tpu.vector_store %arg7[%swap3A_50, %swap3A_51], %broadcast_in_dim3A_49 {strides = array<i32>} : memref<1024x1xi32, #tpu.memory_space<vmem>>, vector<1024x1xi32>,
    } else {
    }
    %get3A = arith.constant 0 : index
    %get3A_2 = arith.constant 0 : index
    %get3A_3 = vector.load %arg3[%get3A, %get3A_2] : memref<2048x16xf32, #tpu.memory_space<vmem>>, vector<2048x16xf32>
    %get3A_4 = arith.constant 0 : index
    %get3A_5 = vector.load %arg4[%get3A_4] : memref<2048xf32, #tpu.memory_space<vmem>>, vector<2048xf32>
    %reshape3A = vector.shape_cast %get3A_5 : vector<2048xf32> to vector<1x2048xf32>
    %get3A_6 = arith.constant 0 : index
    %get3A_7 = arith.constant 0 : index
    %get3A_8 = vector.load %arg2[%get3A_6, %get3A_7] : memref<1024x16xf32, #tpu.memory_space<vmem>>, vector<1024x16xf32>
    %mul3A = arith.constant 2.000000e+00 : f32
    %mul3A_9 = vector.broadcast %mul3A : f32 to vector<1024x16xf32>
    %mul3A_10 = arith.mulf %mul3A_9, %get3A_8 : vector<1024x16xf32>
    %dot_general3A = arith.constant dense<0.000000e+00> : vector<1024x2048xf32>
    %dot_general3A_11 = tpu.matmul %mul3A_10, %get3A_3, %dot_general3A {dimension_numbers = #tpu.dot_dimension_numbers<[1], [1], [0], [0], [0, 0, 1, 0], [], []>, transpose_lhs_hint = false} : vector<1024x16xf32>, vector<2048x16xf32>, vector<1024x2048xf32> -> vector<1024x2048xf32>
    %sub3A = vector.broadcast %reshape3A : vector<1x2048xf32> to vector<1024x2048xf32>
    %sub3A_12 = arith.subf %sub3A, %dot_general3A_11 : vector<1024x2048xf32>
    %reduce_min3A = arith.constant dense<0x7F800000> : vector<1024xf32>
    %reduce_min3A_13 = vector.multi_reduction <minimumf>, %sub3A_12, %reduce_min3A [1] : vector<1024x2048xf32> to vector<1024xf32>
    %broadcast_in_dim3A = vector.shape_cast %reduce_min3A_13 : vector<1024xf32> to vector<1024x1xf32>
    %iota3A = tpu.iota {dimensions = array<i32: 1>} : vector<1024x2048xi32>
    %eq3A_14 = vector.broadcast %broadcast_in_dim3A : vector<1024x1xf32> to vector<1024x2048xf32>
    %eq3A_15 = arith.cmpf oeq, %sub3A_12, %eq3A_14 : vector<1024x2048xf32>
    %jit3A = arith.constant 2147483647 : i32
    %broadcast_in_dim3A_16 = vector.broadcast %jit3A : i32 to vector<1024x2048xi32>
    %select_n3A = arith.select %eq3A_15, %iota3A, %broadcast_in_dim3A_16 : vector<1024x2048xi1>, vector<1024x2048xi32>
    %reduce_min3A_17 = arith.constant dense<2147483647> : vector<1024xi32>
    %reduce_min3A_18 = vector.multi_reduction <minsi>, %select_n3A, %reduce_min3A_17 [1] : vector<1024x2048xi32> to vector<1024xi32>
    %broadcast_in_dim3A_19 = vector.shape_cast %reduce_min3A_18 : vector<1024xi32> to vector<1024x1xi32>
    %mul3A_20 = arith.constant 2048 : i32
    %mul3A_21 = arith.muli %arg1, %mul3A_20 : i32
    %add3A = vector.broadcast %mul3A_21 : i32 to vector<1024x1xi32>
    %add3A_22 = arith.addi %broadcast_in_dim3A_19, %add3A : vector<1024x1xi32>
    %get3A_23 = arith.constant 0 : index
    %get3A_24 = arith.constant 0 : index
    %get3A_25 = vector.load %arg6[%get3A_23, %get3A_24] : memref<1024x1xf32, #tpu.memory_space<vmem>>, vector<1024x1xf32>
    %lt3A = arith.cmpf olt, %broadcast_in_dim3A, %get3A_25 : vector<1024x1xf32>
    %get3A_26 = arith.constant 0 : index
    %get3A_27 = arith.constant 0 : index
    %get3A_28 = vector.load %arg7[%get3A_26, %get3A_27] : memref<1024x1xi32, #tpu.memory_space<vmem>>, vector<1024x1xi32>
    %select_n3A_29 = arith.select %lt3A, %add3A_22, %get3A_28 : vector<1024x1xi1>, vector<1024x1xi32>
    %swap3A = arith.constant 0 : index
    %swap3A_30 = arith.constant 0 : index
    %swap3A_31 = vector.load %arg7[%swap3A, %swap3A_30] : memref<1024x1xi32, #tpu.memory_space<vmem>>, vector<1024x1xi32>
    tpu.vector_store %arg7[%swap3A, %swap3A_30], %select_n3A_29 {strides = array<i32>} : memref<1024x1xi32, #tpu.memory_space<vmem>>, vector<1024x1xi32>,
    %get3A_32 = arith.constant 0 : index
    %get3A_33 = arith.constant 0 : index
    %get3A_34 = vector.load %arg6[%get3A_32, %get3A_33] : memref<1024x1xf32, #tpu.memory_space<vmem>>, vector<1024x1xf32>
    %min3A = arith.minimumf %broadcast_in_dim3A, %get3A_34 : vector<1024x1xf32>
    %swap3A_35 = arith.constant 0 : index
    %swap3A_36 = arith.constant 0 : index
    %swap3A_37 = vector.load %arg6[%swap3A_35, %swap3A_36] : memref<1024x1xf32, #tpu.memory_space<vmem>>, vector<1024x1xf32>
    tpu.vector_store %arg6[%swap3A_35, %swap3A_36], %min3A {strides = array<i32>} : memref<1024x1xf32, #tpu.memory_space<vmem>>, vector<1024x1xf32>,
    %eq3A_38 = arith.constant 3 : i32
    %eq3A_39 = arith.cmpi eq, %arg1, %eq3A_38 : i32
    %convert_element_type3A_40 = arith.extui %eq3A_39 : i1 to i32
    %cond3A_41 = arith.constant 0 : i32
    %cond3A_42 = arith.cmpi ne, %convert_element_type3A_40, %cond3A_41 : i32
    scf.if %cond3A_42 {
      %get3A_43 = arith.constant 0 : index
      %get3A_44 = arith.constant 0 : index
      %get3A_45 = vector.load %arg7[%get3A_43, %get3A_44] : memref<1024x1xi32, #tpu.memory_space<vmem>>, vector<1024x1xi32>
      %swap3A_46 = arith.constant 0 : index
      %swap3A_47 = arith.constant 0 : index
      %swap3A_48 = vector.load %arg5[%swap3A_46, %swap3A_47] : memref<1024x1xi32, #tpu.memory_space<vmem>>, vector<1024x1xi32>
      tpu.vector_store %arg5[%swap3A_46, %swap3A_47], %get3A_45 {strides = array<i32>} : memref<1024x1xi32, #tpu.memory_space<vmem>>, vector<1024x1xi32>,
    } else {
    }
    return
  }
  func.func @transform_0(%arg0: i32, %arg1: i32) -> (i32, i32) {
    %c0_i32 = arith.constant 0 : i32
    %c0_i32_0 = arith.constant 0 : i32
    return %arg0, %c0_i32 : i32, i32
  }
  func.func @transform_1(%arg0: i32, %arg1: i32) -> (i32, i32) {
    %c0_i32 = arith.constant 0 : i32
    %c0_i32_0 = arith.constant 0 : i32
    return %arg1, %c0_i32 : i32, i32
  }
  func.func @transform_2(%arg0: i32, %arg1: i32) -> i32 {
    %c0_i32 = arith.constant 0 : i32
    return %arg1 : i32
  }
  func.func @transform_3(%arg0: i32, %arg1: i32) -> (i32, i32) {
    %c0_i32 = arith.constant 0 : i32
    %c0_i32_0 = arith.constant 0 : i32
    return %arg0, %c0_i32 : i32, i32
  }
}

module attributes {stable_mosaic.version = 14 : i64} {
  func.func @_epi_body(%arg0: i32, %arg1: i32, %arg2: memref<1x1024x16xf32, #tpu.memory_space<vmem>>, %arg3: memref<1024x16xf32, #tpu.memory_space<vmem>>, %arg4: memref<1x16x16x1024xf32, #tpu.memory_space<vmem>>, %arg5: memref<16x16xf32, #tpu.memory_space<vmem>>, %arg6: memref<16x1xf32, #tpu.memory_space<vmem>>, %arg7: memref<16x1xf32, #tpu.memory_space<vmem>>, %arg8: memref<16x1xf32, #tpu.memory_space<vmem>>, %arg9: memref<1x16x16x1024xf32, #tpu.memory_space<vmem>>, %arg10: memref<8x128xf32, #tpu.memory_space<vmem>>, %arg11: memref<16x1xf32, #tpu.memory_space<vmem>>, %arg12: memref<16x1xf32, #tpu.memory_space<vmem>>, %arg13: memref<1x1xf32, #tpu.memory_space<vmem>>, %arg14: memref<1x1xf32, #tpu.memory_space<vmem>>) attributes {dimension_semantics = [#tpu.dimension_semantics<arbitrary>, #tpu.dimension_semantics<arbitrary>], iteration_bounds = array<i64: 2, 8>, scalar_prefetch = 0 : i64, scratch_operands = 4 : i64, tpu.core_type = #tpu.core_type<tc>, window_params = [{transform_indices = @transform_0, window_bounds = array<i64: 1, 1024, 16>}, {transform_indices = @transform_1, window_bounds = array<i64: 1024, 16>}, {transform_indices = @transform_2, window_bounds = array<i64: 1, 16, 16, 1024>}, {pipeline_mode = #tpu.pipeline_mode<synchronous>, transform_indices = @transform_3, window_bounds = array<i64: 16, 16>}, {pipeline_mode = #tpu.pipeline_mode<synchronous>, transform_indices = @transform_4, window_bounds = array<i64: 16, 1>}, {pipeline_mode = #tpu.pipeline_mode<synchronous>, transform_indices = @transform_5, window_bounds = array<i64: 16, 1>}, {pipeline_mode = #tpu.pipeline_mode<synchronous>, transform_indices = @transform_6, window_bounds = array<i64: 16, 1>}, {transform_indices = @transform_7, window_bounds = array<i64: 1, 16, 16, 1024>}, {pipeline_mode = #tpu.pipeline_mode<synchronous>, transform_indices = @transform_8, window_bounds = array<i64: 8, 128>}]} {
    %get3A = arith.constant 0 : index
    %get3A_0 = arith.constant 0 : index
    %get3A_1 = arith.constant 0 : index
    %get3A_2 = vector.load %arg2[%get3A, %get3A_0, %get3A_1] : memref<1x1024x16xf32, #tpu.memory_space<vmem>>, vector<1x1024x16xf32>
    %get3A_3 = vector.shape_cast %get3A_2 : vector<1x1024x16xf32> to vector<1024x16xf32>
    %get3A_4 = arith.constant 0 : index
    %get3A_5 = arith.constant 0 : index
    %get3A_6 = vector.load %arg5[%get3A_4, %get3A_5] : memref<16x16xf32, #tpu.memory_space<vmem>>, vector<16x16xf32>
    %dot_general3A = arith.constant dense<0.000000e+00> : vector<16x1024xf32>
    %dot_general3A_7 = tpu.matmul %get3A_6, %get3A_3, %dot_general3A {dimension_numbers = #tpu.dot_dimension_numbers<[1], [1], [0], [0], [0, 0, 1, 0], [], []>, transpose_lhs_hint = false} : vector<16x16xf32>, vector<1024x16xf32>, vector<16x1024xf32> -> vector<16x1024xf32>
    %get3A_8 = arith.constant 0 : index
    %get3A_9 = arith.constant 0 : index
    %get3A_10 = vector.load %arg6[%get3A_8, %get3A_9] : memref<16x1xf32, #tpu.memory_space<vmem>>, vector<16x1xf32>
    %add3A = vector.broadcast %get3A_10 : vector<16x1xf32> to vector<16x1024xf32>
    %add3A_11 = arith.addf %dot_general3A_7, %add3A : vector<16x1024xf32>
    %eq3A = arith.constant 0 : i32
    %eq3A_12 = arith.cmpi eq, %arg0, %eq3A : i32
    %eq3A_13 = arith.constant 0 : i32
    %eq3A_14 = arith.cmpi eq, %arg1, %eq3A_13 : i32
    %and3A = arith.andi %eq3A_12, %eq3A_14 : i1
    %convert_element_type3A = arith.extui %and3A : i1 to i32
    %cond3A = arith.constant 0 : i32
    %cond3A_15 = arith.cmpi ne, %convert_element_type3A, %cond3A : i32
    scf.if %cond3A_15 {
      %broadcast_in_dim3A = arith.constant 0.000000e+00 : f32
      %broadcast_in_dim3A_26 = vector.broadcast %broadcast_in_dim3A : f32 to vector<16x1xf32>
      %swap3A = arith.constant 0 : index
      %swap3A_27 = arith.constant 0 : index
      %swap3A_28 = vector.load %arg11[%swap3A, %swap3A_27] : memref<16x1xf32, #tpu.memory_space<vmem>>, vector<16x1xf32>
      tpu.vector_store %arg11[%swap3A, %swap3A_27], %broadcast_in_dim3A_26 {strides = array<i32>} : memref<16x1xf32, #tpu.memory_space<vmem>>, vector<16x1xf32>,
      %broadcast_in_dim3A_29 = arith.constant 0.000000e+00 : f32
      %broadcast_in_dim3A_30 = vector.broadcast %broadcast_in_dim3A_29 : f32 to vector<16x1xf32>
      %swap3A_31 = arith.constant 0 : index
      %swap3A_32 = arith.constant 0 : index
      %swap3A_33 = vector.load %arg12[%swap3A_31, %swap3A_32] : memref<16x1xf32, #tpu.memory_space<vmem>>, vector<16x1xf32>
      tpu.vector_store %arg12[%swap3A_31, %swap3A_32], %broadcast_in_dim3A_30 {strides = array<i32>} : memref<16x1xf32, #tpu.memory_space<vmem>>, vector<16x1xf32>,
      %broadcast_in_dim3A_34 = arith.constant 0.000000e+00 : f32
      %broadcast_in_dim3A_35 = vector.broadcast %broadcast_in_dim3A_34 : f32 to vector<1x1xf32>
      %swap3A_36 = arith.constant 0 : index
      %swap3A_37 = arith.constant 0 : index
      %swap3A_38 = vector.load %arg13[%swap3A_36, %swap3A_37] : memref<1x1xf32, #tpu.memory_space<vmem>>, vector<1x1xf32>
      tpu.vector_store %arg13[%swap3A_36, %swap3A_37], %broadcast_in_dim3A_35 {strides = array<i32>} : memref<1x1xf32, #tpu.memory_space<vmem>>, vector<1x1xf32>,
      %broadcast_in_dim3A_39 = arith.constant 0.000000e+00 : f32
      %broadcast_in_dim3A_40 = vector.broadcast %broadcast_in_dim3A_39 : f32 to vector<1x1xf32>
      %swap3A_41 = arith.constant 0 : index
      %swap3A_42 = arith.constant 0 : index
      %swap3A_43 = vector.load %arg14[%swap3A_41, %swap3A_42] : memref<1x1xf32, #tpu.memory_space<vmem>>, vector<1x1xf32>
      tpu.vector_store %arg14[%swap3A_41, %swap3A_42], %broadcast_in_dim3A_40 {strides = array<i32>} : memref<1x1xf32, #tpu.memory_space<vmem>>, vector<1x1xf32>,
      %broadcast_in_dim3A_44 = arith.constant 0.000000e+00 : f32
      %broadcast_in_dim3A_45 = vector.broadcast %broadcast_in_dim3A_44 : f32 to vector<8x128xf32>
      %swap3A_46 = arith.constant 0 : index
      %swap3A_47 = arith.constant 0 : index
      %swap3A_48 = vector.load %arg10[%swap3A_46, %swap3A_47] : memref<8x128xf32, #tpu.memory_space<vmem>>, vector<8x128xf32>
      tpu.vector_store %arg10[%swap3A_46, %swap3A_47], %broadcast_in_dim3A_45 {strides = array<i32>} : memref<8x128xf32, #tpu.memory_space<vmem>>, vector<8x128xf32>,
    } else {
    }
    %eq3A_16 = arith.constant 0 : i32
    %eq3A_17 = arith.cmpi eq, %arg0, %eq3A_16 : i32
    %convert_element_type3A_18 = arith.extui %eq3A_17 : i1 to i32
    %cond3A_19 = arith.constant 0 : i32
    %cond3A_20 = arith.cmpi ne, %convert_element_type3A_18, %cond3A_19 : i32
    scf.if %cond3A_20 {
      %get3A_26 = arith.constant 0 : index
      %get3A_27 = arith.constant 0 : index
      %get3A_28 = vector.load %arg11[%get3A_26, %get3A_27] : memref<16x1xf32, #tpu.memory_space<vmem>>, vector<16x1xf32>
      %reduce_sum3A = arith.constant dense<0.000000e+00> : vector<16xf32>
      %reduce_sum3A_29 = vector.multi_reduction <add>, %add3A_11, %reduce_sum3A [1] : vector<16x1024xf32> to vector<16xf32>
      %broadcast_in_dim3A = vector.shape_cast %reduce_sum3A_29 : vector<16xf32> to vector<16x1xf32>
      %add3A_30 = arith.addf %get3A_28, %broadcast_in_dim3A : vector<16x1xf32>
      %swap3A = arith.constant 0 : index
      %swap3A_31 = arith.constant 0 : index
      %swap3A_32 = vector.load %arg11[%swap3A, %swap3A_31] : memref<16x1xf32, #tpu.memory_space<vmem>>, vector<16x1xf32>
      tpu.vector_store %arg11[%swap3A, %swap3A_31], %add3A_30 {strides = array<i32>} : memref<16x1xf32, #tpu.memory_space<vmem>>, vector<16x1xf32>,
      %get3A_33 = arith.constant 0 : index
      %get3A_34 = arith.constant 0 : index
      %get3A_35 = vector.load %arg12[%get3A_33, %get3A_34] : memref<16x1xf32, #tpu.memory_space<vmem>>, vector<16x1xf32>
      %mul3A = arith.mulf %add3A_11, %add3A_11 : vector<16x1024xf32>
      %reduce_sum3A_36 = arith.constant dense<0.000000e+00> : vector<16xf32>
      %reduce_sum3A_37 = vector.multi_reduction <add>, %mul3A, %reduce_sum3A_36 [1] : vector<16x1024xf32> to vector<16xf32>
      %broadcast_in_dim3A_38 = vector.shape_cast %reduce_sum3A_37 : vector<16xf32> to vector<16x1xf32>
      %add3A_39 = arith.addf %get3A_35, %broadcast_in_dim3A_38 : vector<16x1xf32>
      %swap3A_40 = arith.constant 0 : index
      %swap3A_41 = arith.constant 0 : index
      %swap3A_42 = vector.load %arg12[%swap3A_40, %swap3A_41] : memref<16x1xf32, #tpu.memory_space<vmem>>, vector<16x1xf32>
      tpu.vector_store %arg12[%swap3A_40, %swap3A_41], %add3A_39 {strides = array<i32>} : memref<16x1xf32, #tpu.memory_space<vmem>>, vector<16x1xf32>,
      %get3A_43 = arith.constant 0 : index
      %get3A_44 = arith.constant 0 : index
      %get3A_45 = vector.load %arg3[%get3A_43, %get3A_44] : memref<1024x16xf32, #tpu.memory_space<vmem>>, vector<1024x16xf32>
      %sub3A = arith.subf %get3A_3, %get3A_45 : vector<1024x16xf32>
      %get3A_46 = arith.constant 0 : index
      %get3A_47 = arith.constant 0 : index
      %get3A_48 = vector.load %arg13[%get3A_46, %get3A_47] : memref<1x1xf32, #tpu.memory_space<vmem>>, vector<1x1xf32>
      %mul3A_49 = arith.mulf %sub3A, %sub3A : vector<1024x16xf32>
      %reduce_sum3A_50 = vector.shape_cast %mul3A_49 : vector<1024x16xf32> to vector<1x1024x16xf32>
      %reduce_sum3A_51 = arith.constant dense<0.000000e+00> : vector<1xf32>
      %reduce_sum3A_52 = vector.multi_reduction <add>, %reduce_sum3A_50, %reduce_sum3A_51 [1, 2] : vector<1x1024x16xf32> to vector<1xf32>
      %reduce_sum3A_53 = vector.shape_cast %reduce_sum3A_52 : vector<1xf32> to vector<1x1x1xf32>
      %reduce_sum3A_54 = vector.extract %reduce_sum3A_53[0, 0, 0] : f32 from vector<1x1x1xf32>
      %broadcast_in_dim3A_55 = vector.broadcast %reduce_sum3A_54 : f32 to vector<1x1xf32>
      %add3A_56 = arith.addf %get3A_48, %broadcast_in_dim3A_55 : vector<1x1xf32>
      %swap3A_57 = arith.constant 0 : index
      %swap3A_58 = arith.constant 0 : index
      %swap3A_59 = vector.load %arg13[%swap3A_57, %swap3A_58] : memref<1x1xf32, #tpu.memory_space<vmem>>, vector<1x1xf32>
      tpu.vector_store %arg13[%swap3A_57, %swap3A_58], %add3A_56 {strides = array<i32>} : memref<1x1xf32, #tpu.memory_space<vmem>>, vector<1x1xf32>,
    } else {
    }
    %eq3A_21 = arith.constant 1 : i32
    %eq3A_22 = arith.cmpi eq, %arg0, %eq3A_21 : i32
    %convert_element_type3A_23 = arith.extui %eq3A_22 : i1 to i32
    %cond3A_24 = arith.constant 0 : i32
    %cond3A_25 = arith.cmpi ne, %convert_element_type3A_23, %cond3A_24 : i32
    scf.if %cond3A_25 {
      %get3A_26 = arith.constant 0 : index
      %get3A_27 = arith.constant 0 : index
      %get3A_28 = vector.load %arg11[%get3A_26, %get3A_27] : memref<16x1xf32, #tpu.memory_space<vmem>>, vector<16x1xf32>
      %mul3A = arith.constant 1.22070313E-4 : f32
      %mul3A_29 = vector.broadcast %mul3A : f32 to vector<16x1xf32>
      %mul3A_30 = arith.mulf %get3A_28, %mul3A_29 : vector<16x1xf32>
      %get3A_31 = arith.constant 0 : index
      %get3A_32 = arith.constant 0 : index
      %get3A_33 = vector.load %arg12[%get3A_31, %get3A_32] : memref<16x1xf32, #tpu.memory_space<vmem>>, vector<16x1xf32>
      %mul3A_34 = arith.constant 1.22070313E-4 : f32
      %mul3A_35 = vector.broadcast %mul3A_34 : f32 to vector<16x1xf32>
      %mul3A_36 = arith.mulf %get3A_33, %mul3A_35 : vector<16x1xf32>
      %mul3A_37 = arith.mulf %mul3A_30, %mul3A_30 : vector<16x1xf32>
      %sub3A = arith.subf %mul3A_36, %mul3A_37 : vector<16x1xf32>
      %sub3A_38 = vector.broadcast %mul3A_30 : vector<16x1xf32> to vector<16x1024xf32>
      %sub3A_39 = arith.subf %add3A_11, %sub3A_38 : vector<16x1024xf32>
      %mul3A_40 = arith.constant 2.000000e-01 : f32
      %mul3A_41 = vector.broadcast %mul3A_40 : f32 to vector<16x1024xf32>
      %mul3A_42 = arith.mulf %mul3A_41, %sub3A_39 : vector<16x1024xf32>
      %add3A_43 = arith.constant 9.99999974E-6 : f32
      %add3A_44 = vector.broadcast %add3A_43 : f32 to vector<16x1xf32>
      %add3A_45 = arith.addf %sub3A, %add3A_44 : vector<16x1xf32>
      %rsqrt3A = math.rsqrt %add3A_45 : vector<16x1xf32>
      %mul3A_46 = vector.broadcast %rsqrt3A : vector<16x1xf32> to vector<16x1024xf32>
      %mul3A_47 = arith.mulf %mul3A_42, %mul3A_46 : vector<16x1024xf32>
      %get3A_48 = arith.constant 0 : index
      %get3A_49 = arith.constant 0 : index
      %get3A_50 = vector.load %arg7[%get3A_48, %get3A_49] : memref<16x1xf32, #tpu.memory_space<vmem>>, vector<16x1xf32>
      %mul3A_51 = vector.broadcast %get3A_50 : vector<16x1xf32> to vector<16x1024xf32>
      %mul3A_52 = arith.mulf %mul3A_47, %mul3A_51 : vector<16x1024xf32>
      %get3A_53 = arith.constant 0 : index
      %get3A_54 = arith.constant 0 : index
      %get3A_55 = vector.load %arg8[%get3A_53, %get3A_54] : memref<16x1xf32, #tpu.memory_space<vmem>>, vector<16x1xf32>
      %add3A_56 = vector.broadcast %get3A_55 : vector<16x1xf32> to vector<16x1024xf32>
      %add3A_57 = arith.addf %mul3A_52, %add3A_56 : vector<16x1024xf32>
      %gt3A = arith.constant 2.000000e-01 : f32
      %gt3A_58 = vector.broadcast %gt3A : f32 to vector<16x1024xf32>
      %gt3A_59 = arith.cmpf ogt, %add3A_57, %gt3A_58 : vector<16x1024xf32>
      %convert_element_type3A_60 = arith.extui %gt3A_59 : vector<16x1024xi1> to vector<16x1024xi32>
      %convert_element_type3A_61 = arith.sitofp %convert_element_type3A_60 : vector<16x1024xi32> to vector<16x1024xf32>
      %swap3A = arith.constant 0 : index
      %swap3A_62 = arith.constant 0 : index
      %swap3A_63 = arith.constant 0 : index
      %swap3A_64 = arith.constant 0 : index
      %swap3A_65 = vector.load %arg9[%swap3A, %swap3A_62, %swap3A_63, %swap3A_64] : memref<1x16x16x1024xf32, #tpu.memory_space<vmem>>, vector<1x16x1x1024xf32>
      %swap3A_66 = vector.shape_cast %swap3A_65 : vector<1x16x1x1024xf32> to vector<16x1024xf32>
      %swap3A_67 = vector.shape_cast %convert_element_type3A_61 : vector<16x1024xf32> to vector<1x16x1x1024xf32>
      tpu.vector_store %arg9[%swap3A, %swap3A_62, %swap3A_63, %swap3A_64], %swap3A_67 {strides = array<i32>} : memref<1x16x16x1024xf32, #tpu.memory_space<vmem>>, vector<1x16x1x1024xf32>,
      %get3A_68 = arith.constant 0 : index
      %get3A_69 = arith.constant 0 : index
      %get3A_70 = arith.constant 0 : index
      %get3A_71 = arith.constant 0 : index
      %get3A_72 = vector.load %arg4[%get3A_68, %get3A_69, %get3A_70, %get3A_71] : memref<1x16x16x1024xf32, #tpu.memory_space<vmem>>, vector<1x16x1x1024xf32>
      %get3A_73 = vector.shape_cast %get3A_72 : vector<1x16x1x1024xf32> to vector<16x1024xf32>
      %sub3A_74 = arith.subf %convert_element_type3A_61, %get3A_73 : vector<16x1024xf32>
      %mul3A_75 = arith.mulf %sub3A_74, %sub3A_74 : vector<16x1024xf32>
      %mul3A_76 = arith.constant 2.500000e-01 : f32
      %mul3A_77 = vector.broadcast %mul3A_76 : f32 to vector<16x1024xf32>
      %mul3A_78 = arith.mulf %mul3A_77, %add3A_57 : vector<16x1024xf32>
      %sub3A_79 = arith.constant 1.000000e+00 : f32
      %sub3A_80 = vector.broadcast %sub3A_79 : f32 to vector<16x1024xf32>
      %sub3A_81 = arith.subf %sub3A_80, %convert_element_type3A_61 : vector<16x1024xf32>
      %mul3A_82 = arith.mulf %mul3A_78, %sub3A_81 : vector<16x1024xf32>
      %add3A_83 = arith.addf %mul3A_82, %add3A_57 : vector<16x1024xf32>
      %gt3A_84 = arith.constant 2.000000e-01 : f32
      %gt3A_85 = vector.broadcast %gt3A_84 : f32 to vector<16x1024xf32>
      %gt3A_86 = arith.cmpf ogt, %add3A_83, %gt3A_85 : vector<16x1024xf32>
      %convert_element_type3A_87 = arith.extui %gt3A_86 : vector<16x1024xi1> to vector<16x1024xi32>
      %convert_element_type3A_88 = arith.sitofp %convert_element_type3A_87 : vector<16x1024xi32> to vector<16x1024xf32>
      %swap3A_89 = arith.constant 0 : index
      %swap3A_90 = arith.constant 0 : index
      %swap3A_91 = arith.constant 1 : index
      %swap3A_92 = arith.constant 0 : index
      %swap3A_93 = vector.load %arg9[%swap3A_89, %swap3A_90, %swap3A_91, %swap3A_92] : memref<1x16x16x1024xf32, #tpu.memory_space<vmem>>, vector<1x16x1x1024xf32>
      %swap3A_94 = vector.shape_cast %swap3A_93 : vector<1x16x1x1024xf32> to vector<16x1024xf32>
      %swap3A_95 = vector.shape_cast %convert_element_type3A_88 : vector<16x1024xf32> to vector<1x16x1x1024xf32>
      tpu.vector_store %arg9[%swap3A_89, %swap3A_90, %swap3A_91, %swap3A_92], %swap3A_95 {strides = array<i32>} : memref<1x16x16x1024xf32, #tpu.memory_space<vmem>>, vector<1x16x1x1024xf32>,
      %get3A_96 = arith.constant 0 : index
      %get3A_97 = arith.constant 0 : index
      %get3A_98 = arith.constant 1 : index
      %get3A_99 = arith.constant 0 : index
      %get3A_100 = vector.load %arg4[%get3A_96, %get3A_97, %get3A_98, %get3A_99] : memref<1x16x16x1024xf32, #tpu.memory_space<vmem>>, vector<1x16x1x1024xf32>
      %get3A_101 = vector.shape_cast %get3A_100 : vector<1x16x1x1024xf32> to vector<16x1024xf32>
      %sub3A_102 = arith.subf %convert_element_type3A_88, %get3A_101 : vector<16x1024xf32>
      %mul3A_103 = arith.mulf %sub3A_102, %sub3A_102 : vector<16x1024xf32>
      %add3A_104 = arith.addf %mul3A_75, %mul3A_103 : vector<16x1024xf32>
      %mul3A_105 = arith.constant 2.500000e-01 : f32
      %mul3A_106 = vector.broadcast %mul3A_105 : f32 to vector<16x1024xf32>
      %mul3A_107 = arith.mulf %mul3A_106, %add3A_83 : vector<16x1024xf32>
      %sub3A_108 = arith.constant 1.000000e+00 : f32
      %sub3A_109 = vector.broadcast %sub3A_108 : f32 to vector<16x1024xf32>
      %sub3A_110 = arith.subf %sub3A_109, %convert_element_type3A_88 : vector<16x1024xf32>
      %mul3A_111 = arith.mulf %mul3A_107, %sub3A_110 : vector<16x1024xf32>
      %add3A_112 = arith.addf %mul3A_111, %add3A_57 : vector<16x1024xf32>
      %gt3A_113 = arith.constant 2.000000e-01 : f32
      %gt3A_114 = vector.broadcast %gt3A_113 : f32 to vector<16x1024xf32>
      %gt3A_115 = arith.cmpf ogt, %add3A_112, %gt3A_114 : vector<16x1024xf32>
      %convert_element_type3A_116 = arith.extui %gt3A_115 : vector<16x1024xi1> to vector<16x1024xi32>
      %convert_element_type3A_117 = arith.sitofp %convert_element_type3A_116 : vector<16x1024xi32> to vector<16x1024xf32>
      %swap3A_118 = arith.constant 0 : index
      %swap3A_119 = arith.constant 0 : index
      %swap3A_120 = arith.constant 2 : index
      %swap3A_121 = arith.constant 0 : index
      %swap3A_122 = vector.load %arg9[%swap3A_118, %swap3A_119, %swap3A_120, %swap3A_121] : memref<1x16x16x1024xf32, #tpu.memory_space<vmem>>, vector<1x16x1x1024xf32>
      %swap3A_123 = vector.shape_cast %swap3A_122 : vector<1x16x1x1024xf32> to vector<16x1024xf32>
      %swap3A_124 = vector.shape_cast %convert_element_type3A_117 : vector<16x1024xf32> to vector<1x16x1x1024xf32>
      tpu.vector_store %arg9[%swap3A_118, %swap3A_119, %swap3A_120, %swap3A_121], %swap3A_124 {strides = array<i32>} : memref<1x16x16x1024xf32, #tpu.memory_space<vmem>>, vector<1x16x1x1024xf32>,
      %get3A_125 = arith.constant 0 : index
      %get3A_126 = arith.constant 0 : index
      %get3A_127 = arith.constant 2 : index
      %get3A_128 = arith.constant 0 : index
      %get3A_129 = vector.load %arg4[%get3A_125, %get3A_126, %get3A_127, %get3A_128] : memref<1x16x16x1024xf32, #tpu.memory_space<vmem>>, vector<1x16x1x1024xf32>
      %get3A_130 = vector.shape_cast %get3A_129 : vector<1x16x1x1024xf32> to vector<16x1024xf32>
      %sub3A_131 = arith.subf %convert_element_type3A_117, %get3A_130 : vector<16x1024xf32>
      %mul3A_132 = arith.mulf %sub3A_131, %sub3A_131 : vector<16x1024xf32>
      %add3A_133 = arith.addf %add3A_104, %mul3A_132 : vector<16x1024xf32>
      %mul3A_134 = arith.constant 2.500000e-01 : f32
      %mul3A_135 = vector.broadcast %mul3A_134 : f32 to vector<16x1024xf32>
      %mul3A_136 = arith.mulf %mul3A_135, %add3A_112 : vector<16x1024xf32>
      %sub3A_137 = arith.constant 1.000000e+00 : f32
      %sub3A_138 = vector.broadcast %sub3A_137 : f32 to vector<16x1024xf32>
      %sub3A_139 = arith.subf %sub3A_138, %convert_element_type3A_117 : vector<16x1024xf32>
      %mul3A_140 = arith.mulf %mul3A_136, %sub3A_139 : vector<16x1024xf32>
      %add3A_141 = arith.addf %mul3A_140, %add3A_57 : vector<16x1024xf32>
      %gt3A_142 = arith.constant 2.000000e-01 : f32
      %gt3A_143 = vector.broadcast %gt3A_142 : f32 to vector<16x1024xf32>
      %gt3A_144 = arith.cmpf ogt, %add3A_141, %gt3A_143 : vector<16x1024xf32>
      %convert_element_type3A_145 = arith.extui %gt3A_144 : vector<16x1024xi1> to vector<16x1024xi32>
      %convert_element_type3A_146 = arith.sitofp %convert_element_type3A_145 : vector<16x1024xi32> to vector<16x1024xf32>
      %swap3A_147 = arith.constant 0 : index
      %swap3A_148 = arith.constant 0 : index
      %swap3A_149 = arith.constant 3 : index
      %swap3A_150 = arith.constant 0 : index
      %swap3A_151 = vector.load %arg9[%swap3A_147, %swap3A_148, %swap3A_149, %swap3A_150] : memref<1x16x16x1024xf32, #tpu.memory_space<vmem>>, vector<1x16x1x1024xf32>
      %swap3A_152 = vector.shape_cast %swap3A_151 : vector<1x16x1x1024xf32> to vector<16x1024xf32>
      %swap3A_153 = vector.shape_cast %convert_element_type3A_146 : vector<16x1024xf32> to vector<1x16x1x1024xf32>
      tpu.vector_store %arg9[%swap3A_147, %swap3A_148, %swap3A_149, %swap3A_150], %swap3A_153 {strides = array<i32>} : memref<1x16x16x1024xf32, #tpu.memory_space<vmem>>, vector<1x16x1x1024xf32>,
      %get3A_154 = arith.constant 0 : index
      %get3A_155 = arith.constant 0 : index
      %get3A_156 = arith.constant 3 : index
      %get3A_157 = arith.constant 0 : index
      %get3A_158 = vector.load %arg4[%get3A_154, %get3A_155, %get3A_156, %get3A_157] : memref<1x16x16x1024xf32, #tpu.memory_space<vmem>>, vector<1x16x1x1024xf32>
      %get3A_159 = vector.shape_cast %get3A_158 : vector<1x16x1x1024xf32> to vector<16x1024xf32>
      %sub3A_160 = arith.subf %convert_element_type3A_146, %get3A_159 : vector<16x1024xf32>
      %mul3A_161 = arith.mulf %sub3A_160, %sub3A_160 : vector<16x1024xf32>
      %add3A_162 = arith.addf %add3A_133, %mul3A_161 : vector<16x1024xf32>
      %mul3A_163 = arith.constant 2.500000e-01 : f32
      %mul3A_164 = vector.broadcast %mul3A_163 : f32 to vector<16x1024xf32>
      %mul3A_165 = arith.mulf %mul3A_164, %add3A_141 : vector<16x1024xf32>
      %sub3A_166 = arith.constant 1.000000e+00 : f32
      %sub3A_167 = vector.broadcast %sub3A_166 : f32 to vector<16x1024xf32>
      %sub3A_168 = arith.subf %sub3A_167, %convert_element_type3A_146 : vector<16x1024xf32>
      %mul3A_169 = arith.mulf %mul3A_165, %sub3A_168 : vector<16x1024xf32>
      %add3A_170 = arith.addf %mul3A_169, %add3A_57 : vector<16x1024xf32>
      %gt3A_171 = arith.constant 2.000000e-01 : f32
      %gt3A_172 = vector.broadcast %gt3A_171 : f32 to vector<16x1024xf32>
      %gt3A_173 = arith.cmpf ogt, %add3A_170, %gt3A_172 : vector<16x1024xf32>
      %convert_element_type3A_174 = arith.extui %gt3A_173 : vector<16x1024xi1> to vector<16x1024xi32>
      %convert_element_type3A_175 = arith.sitofp %convert_element_type3A_174 : vector<16x1024xi32> to vector<16x1024xf32>
      %swap3A_176 = arith.constant 0 : index
      %swap3A_177 = arith.constant 0 : index
      %swap3A_178 = arith.constant 4 : index
      %swap3A_179 = arith.constant 0 : index
      %swap3A_180 = vector.load %arg9[%swap3A_176, %swap3A_177, %swap3A_178, %swap3A_179] : memref<1x16x16x1024xf32, #tpu.memory_space<vmem>>, vector<1x16x1x1024xf32>
      %swap3A_181 = vector.shape_cast %swap3A_180 : vector<1x16x1x1024xf32> to vector<16x1024xf32>
      %swap3A_182 = vector.shape_cast %convert_element_type3A_175 : vector<16x1024xf32> to vector<1x16x1x1024xf32>
      tpu.vector_store %arg9[%swap3A_176, %swap3A_177, %swap3A_178, %swap3A_179], %swap3A_182 {strides = array<i32>} : memref<1x16x16x1024xf32, #tpu.memory_space<vmem>>, vector<1x16x1x1024xf32>,
      %get3A_183 = arith.constant 0 : index
      %get3A_184 = arith.constant 0 : index
      %get3A_185 = arith.constant 4 : index
      %get3A_186 = arith.constant 0 : index
      %get3A_187 = vector.load %arg4[%get3A_183, %get3A_184, %get3A_185, %get3A_186] : memref<1x16x16x1024xf32, #tpu.memory_space<vmem>>, vector<1x16x1x1024xf32>
      %get3A_188 = vector.shape_cast %get3A_187 : vector<1x16x1x1024xf32> to vector<16x1024xf32>
      %sub3A_189 = arith.subf %convert_element_type3A_175, %get3A_188 : vector<16x1024xf32>
      %mul3A_190 = arith.mulf %sub3A_189, %sub3A_189 : vector<16x1024xf32>
      %add3A_191 = arith.addf %add3A_162, %mul3A_190 : vector<16x1024xf32>
      %mul3A_192 = arith.constant 2.500000e-01 : f32
      %mul3A_193 = vector.broadcast %mul3A_192 : f32 to vector<16x1024xf32>
      %mul3A_194 = arith.mulf %mul3A_193, %add3A_170 : vector<16x1024xf32>
      %sub3A_195 = arith.constant 1.000000e+00 : f32
      %sub3A_196 = vector.broadcast %sub3A_195 : f32 to vector<16x1024xf32>
      %sub3A_197 = arith.subf %sub3A_196, %convert_element_type3A_175 : vector<16x1024xf32>
      %mul3A_198 = arith.mulf %mul3A_194, %sub3A_197 : vector<16x1024xf32>
      %add3A_199 = arith.addf %mul3A_198, %add3A_57 : vector<16x1024xf32>
      %gt3A_200 = arith.constant 2.000000e-01 : f32
      %gt3A_201 = vector.broadcast %gt3A_200 : f32 to vector<16x1024xf32>
      %gt3A_202 = arith.cmpf ogt, %add3A_199, %gt3A_201 : vector<16x1024xf32>
      %convert_element_type3A_203 = arith.extui %gt3A_202 : vector<16x1024xi1> to vector<16x1024xi32>
      %convert_element_type3A_204 = arith.sitofp %convert_element_type3A_203 : vector<16x1024xi32> to vector<16x1024xf32>
      %swap3A_205 = arith.constant 0 : index
      %swap3A_206 = arith.constant 0 : index
      %swap3A_207 = arith.constant 5 : index
      %swap3A_208 = arith.constant 0 : index
      %swap3A_209 = vector.load %arg9[%swap3A_205, %swap3A_206, %swap3A_207, %swap3A_208] : memref<1x16x16x1024xf32, #tpu.memory_space<vmem>>, vector<1x16x1x1024xf32>
      %swap3A_210 = vector.shape_cast %swap3A_209 : vector<1x16x1x1024xf32> to vector<16x1024xf32>
      %swap3A_211 = vector.shape_cast %convert_element_type3A_204 : vector<16x1024xf32> to vector<1x16x1x1024xf32>
      tpu.vector_store %arg9[%swap3A_205, %swap3A_206, %swap3A_207, %swap3A_208], %swap3A_211 {strides = array<i32>} : memref<1x16x16x1024xf32, #tpu.memory_space<vmem>>, vector<1x16x1x1024xf32>,
      %get3A_212 = arith.constant 0 : index
      %get3A_213 = arith.constant 0 : index
      %get3A_214 = arith.constant 5 : index
      %get3A_215 = arith.constant 0 : index
      %get3A_216 = vector.load %arg4[%get3A_212, %get3A_213, %get3A_214, %get3A_215] : memref<1x16x16x1024xf32, #tpu.memory_space<vmem>>, vector<1x16x1x1024xf32>
      %get3A_217 = vector.shape_cast %get3A_216 : vector<1x16x1x1024xf32> to vector<16x1024xf32>
      %sub3A_218 = arith.subf %convert_element_type3A_204, %get3A_217 : vector<16x1024xf32>
      %mul3A_219 = arith.mulf %sub3A_218, %sub3A_218 : vector<16x1024xf32>
      %add3A_220 = arith.addf %add3A_191, %mul3A_219 : vector<16x1024xf32>
      %mul3A_221 = arith.constant 2.500000e-01 : f32
      %mul3A_222 = vector.broadcast %mul3A_221 : f32 to vector<16x1024xf32>
      %mul3A_223 = arith.mulf %mul3A_222, %add3A_199 : vector<16x1024xf32>
      %sub3A_224 = arith.constant 1.000000e+00 : f32
      %sub3A_225 = vector.broadcast %sub3A_224 : f32 to vector<16x1024xf32>
      %sub3A_226 = arith.subf %sub3A_225, %convert_element_type3A_204 : vector<16x1024xf32>
      %mul3A_227 = arith.mulf %mul3A_223, %sub3A_226 : vector<16x1024xf32>
      %add3A_228 = arith.addf %mul3A_227, %add3A_57 : vector<16x1024xf32>
      %gt3A_229 = arith.constant 2.000000e-01 : f32
      %gt3A_230 = vector.broadcast %gt3A_229 : f32 to vector<16x1024xf32>
      %gt3A_231 = arith.cmpf ogt, %add3A_228, %gt3A_230 : vector<16x1024xf32>
      %convert_element_type3A_232 = arith.extui %gt3A_231 : vector<16x1024xi1> to vector<16x1024xi32>
      %convert_element_type3A_233 = arith.sitofp %convert_element_type3A_232 : vector<16x1024xi32> to vector<16x1024xf32>
      %swap3A_234 = arith.constant 0 : index
      %swap3A_235 = arith.constant 0 : index
      %swap3A_236 = arith.constant 6 : index
      %swap3A_237 = arith.constant 0 : index
      %swap3A_238 = vector.load %arg9[%swap3A_234, %swap3A_235, %swap3A_236, %swap3A_237] : memref<1x16x16x1024xf32, #tpu.memory_space<vmem>>, vector<1x16x1x1024xf32>
      %swap3A_239 = vector.shape_cast %swap3A_238 : vector<1x16x1x1024xf32> to vector<16x1024xf32>
      %swap3A_240 = vector.shape_cast %convert_element_type3A_233 : vector<16x1024xf32> to vector<1x16x1x1024xf32>
      tpu.vector_store %arg9[%swap3A_234, %swap3A_235, %swap3A_236, %swap3A_237], %swap3A_240 {strides = array<i32>} : memref<1x16x16x1024xf32, #tpu.memory_space<vmem>>, vector<1x16x1x1024xf32>,
      %get3A_241 = arith.constant 0 : index
      %get3A_242 = arith.constant 0 : index
      %get3A_243 = arith.constant 6 : index
      %get3A_244 = arith.constant 0 : index
      %get3A_245 = vector.load %arg4[%get3A_241, %get3A_242, %get3A_243, %get3A_244] : memref<1x16x16x1024xf32, #tpu.memory_space<vmem>>, vector<1x16x1x1024xf32>
      %get3A_246 = vector.shape_cast %get3A_245 : vector<1x16x1x1024xf32> to vector<16x1024xf32>
      %sub3A_247 = arith.subf %convert_element_type3A_233, %get3A_246 : vector<16x1024xf32>
      %mul3A_248 = arith.mulf %sub3A_247, %sub3A_247 : vector<16x1024xf32>
      %add3A_249 = arith.addf %add3A_220, %mul3A_248 : vector<16x1024xf32>
      %mul3A_250 = arith.constant 2.500000e-01 : f32
      %mul3A_251 = vector.broadcast %mul3A_250 : f32 to vector<16x1024xf32>
      %mul3A_252 = arith.mulf %mul3A_251, %add3A_228 : vector<16x1024xf32>
      %sub3A_253 = arith.constant 1.000000e+00 : f32
      %sub3A_254 = vector.broadcast %sub3A_253 : f32 to vector<16x1024xf32>
      %sub3A_255 = arith.subf %sub3A_254, %convert_element_type3A_233 : vector<16x1024xf32>
      %mul3A_256 = arith.mulf %mul3A_252, %sub3A_255 : vector<16x1024xf32>
      %add3A_257 = arith.addf %mul3A_256, %add3A_57 : vector<16x1024xf32>
      %gt3A_258 = arith.constant 2.000000e-01 : f32
      %gt3A_259 = vector.broadcast %gt3A_258 : f32 to vector<16x1024xf32>
      %gt3A_260 = arith.cmpf ogt, %add3A_257, %gt3A_259 : vector<16x1024xf32>
      %convert_element_type3A_261 = arith.extui %gt3A_260 : vector<16x1024xi1> to vector<16x1024xi32>
      %convert_element_type3A_262 = arith.sitofp %convert_element_type3A_261 : vector<16x1024xi32> to vector<16x1024xf32>
      %swap3A_263 = arith.constant 0 : index
      %swap3A_264 = arith.constant 0 : index
      %swap3A_265 = arith.constant 7 : index
      %swap3A_266 = arith.constant 0 : index
      %swap3A_267 = vector.load %arg9[%swap3A_263, %swap3A_264, %swap3A_265, %swap3A_266] : memref<1x16x16x1024xf32, #tpu.memory_space<vmem>>, vector<1x16x1x1024xf32>
      %swap3A_268 = vector.shape_cast %swap3A_267 : vector<1x16x1x1024xf32> to vector<16x1024xf32>
      %swap3A_269 = vector.shape_cast %convert_element_type3A_262 : vector<16x1024xf32> to vector<1x16x1x1024xf32>
      tpu.vector_store %arg9[%swap3A_263, %swap3A_264, %swap3A_265, %swap3A_266], %swap3A_269 {strides = array<i32>} : memref<1x16x16x1024xf32, #tpu.memory_space<vmem>>, vector<1x16x1x1024xf32>,
      %get3A_270 = arith.constant 0 : index
      %get3A_271 = arith.constant 0 : index
      %get3A_272 = arith.constant 7 : index
      %get3A_273 = arith.constant 0 : index
      %get3A_274 = vector.load %arg4[%get3A_270, %get3A_271, %get3A_272, %get3A_273] : memref<1x16x16x1024xf32, #tpu.memory_space<vmem>>, vector<1x16x1x1024xf32>
      %get3A_275 = vector.shape_cast %get3A_274 : vector<1x16x1x1024xf32> to vector<16x1024xf32>
      %sub3A_276 = arith.subf %convert_element_type3A_262, %get3A_275 : vector<16x1024xf32>
      %mul3A_277 = arith.mulf %sub3A_276, %sub3A_276 : vector<16x1024xf32>
      %add3A_278 = arith.addf %add3A_249, %mul3A_277 : vector<16x1024xf32>
      %mul3A_279 = arith.constant 2.500000e-01 : f32
      %mul3A_280 = vector.broadcast %mul3A_279 : f32 to vector<16x1024xf32>
      %mul3A_281 = arith.mulf %mul3A_280, %add3A_257 : vector<16x1024xf32>
      %sub3A_282 = arith.constant 1.000000e+00 : f32
      %sub3A_283 = vector.broadcast %sub3A_282 : f32 to vector<16x1024xf32>
      %sub3A_284 = arith.subf %sub3A_283, %convert_element_type3A_262 : vector<16x1024xf32>
      %mul3A_285 = arith.mulf %mul3A_281, %sub3A_284 : vector<16x1024xf32>
      %add3A_286 = arith.addf %mul3A_285, %add3A_57 : vector<16x1024xf32>
      %gt3A_287 = arith.constant 2.000000e-01 : f32
      %gt3A_288 = vector.broadcast %gt3A_287 : f32 to vector<16x1024xf32>
      %gt3A_289 = arith.cmpf ogt, %add3A_286, %gt3A_288 : vector<16x1024xf32>
      %convert_element_type3A_290 = arith.extui %gt3A_289 : vector<16x1024xi1> to vector<16x1024xi32>
      %convert_element_type3A_291 = arith.sitofp %convert_element_type3A_290 : vector<16x1024xi32> to vector<16x1024xf32>
      %swap3A_292 = arith.constant 0 : index
      %swap3A_293 = arith.constant 0 : index
      %swap3A_294 = arith.constant 8 : index
      %swap3A_295 = arith.constant 0 : index
      %swap3A_296 = vector.load %arg9[%swap3A_292, %swap3A_293, %swap3A_294, %swap3A_295] : memref<1x16x16x1024xf32, #tpu.memory_space<vmem>>, vector<1x16x1x1024xf32>
      %swap3A_297 = vector.shape_cast %swap3A_296 : vector<1x16x1x1024xf32> to vector<16x1024xf32>
      %swap3A_298 = vector.shape_cast %convert_element_type3A_291 : vector<16x1024xf32> to vector<1x16x1x1024xf32>
      tpu.vector_store %arg9[%swap3A_292, %swap3A_293, %swap3A_294, %swap3A_295], %swap3A_298 {strides = array<i32>} : memref<1x16x16x1024xf32, #tpu.memory_space<vmem>>, vector<1x16x1x1024xf32>,
      %get3A_299 = arith.constant 0 : index
      %get3A_300 = arith.constant 0 : index
      %get3A_301 = arith.constant 8 : index
      %get3A_302 = arith.constant 0 : index
      %get3A_303 = vector.load %arg4[%get3A_299, %get3A_300, %get3A_301, %get3A_302] : memref<1x16x16x1024xf32, #tpu.memory_space<vmem>>, vector<1x16x1x1024xf32>
      %get3A_304 = vector.shape_cast %get3A_303 : vector<1x16x1x1024xf32> to vector<16x1024xf32>
      %sub3A_305 = arith.subf %convert_element_type3A_291, %get3A_304 : vector<16x1024xf32>
      %mul3A_306 = arith.mulf %sub3A_305, %sub3A_305 : vector<16x1024xf32>
      %add3A_307 = arith.addf %add3A_278, %mul3A_306 : vector<16x1024xf32>
      %mul3A_308 = arith.constant 2.500000e-01 : f32
      %mul3A_309 = vector.broadcast %mul3A_308 : f32 to vector<16x1024xf32>
      %mul3A_310 = arith.mulf %mul3A_309, %add3A_286 : vector<16x1024xf32>
      %sub3A_311 = arith.constant 1.000000e+00 : f32
      %sub3A_312 = vector.broadcast %sub3A_311 : f32 to vector<16x1024xf32>
      %sub3A_313 = arith.subf %sub3A_312, %convert_element_type3A_291 : vector<16x1024xf32>
      %mul3A_314 = arith.mulf %mul3A_310, %sub3A_313 : vector<16x1024xf32>
      %add3A_315 = arith.addf %mul3A_314, %add3A_57 : vector<16x1024xf32>
      %gt3A_316 = arith.constant 2.000000e-01 : f32
      %gt3A_317 = vector.broadcast %gt3A_316 : f32 to vector<16x1024xf32>
      %gt3A_318 = arith.cmpf ogt, %add3A_315, %gt3A_317 : vector<16x1024xf32>
      %convert_element_type3A_319 = arith.extui %gt3A_318 : vector<16x1024xi1> to vector<16x1024xi32>
      %convert_element_type3A_320 = arith.sitofp %convert_element_type3A_319 : vector<16x1024xi32> to vector<16x1024xf32>
      %swap3A_321 = arith.constant 0 : index
      %swap3A_322 = arith.constant 0 : index
      %swap3A_323 = arith.constant 9 : index
      %swap3A_324 = arith.constant 0 : index
      %swap3A_325 = vector.load %arg9[%swap3A_321, %swap3A_322, %swap3A_323, %swap3A_324] : memref<1x16x16x1024xf32, #tpu.memory_space<vmem>>, vector<1x16x1x1024xf32>
      %swap3A_326 = vector.shape_cast %swap3A_325 : vector<1x16x1x1024xf32> to vector<16x1024xf32>
      %swap3A_327 = vector.shape_cast %convert_element_type3A_320 : vector<16x1024xf32> to vector<1x16x1x1024xf32>
      tpu.vector_store %arg9[%swap3A_321, %swap3A_322, %swap3A_323, %swap3A_324], %swap3A_327 {strides = array<i32>} : memref<1x16x16x1024xf32, #tpu.memory_space<vmem>>, vector<1x16x1x1024xf32>,
      %get3A_328 = arith.constant 0 : index
      %get3A_329 = arith.constant 0 : index
      %get3A_330 = arith.constant 9 : index
      %get3A_331 = arith.constant 0 : index
      %get3A_332 = vector.load %arg4[%get3A_328, %get3A_329, %get3A_330, %get3A_331] : memref<1x16x16x1024xf32, #tpu.memory_space<vmem>>, vector<1x16x1x1024xf32>
      %get3A_333 = vector.shape_cast %get3A_332 : vector<1x16x1x1024xf32> to vector<16x1024xf32>
      %sub3A_334 = arith.subf %convert_element_type3A_320, %get3A_333 : vector<16x1024xf32>
      %mul3A_335 = arith.mulf %sub3A_334, %sub3A_334 : vector<16x1024xf32>
      %add3A_336 = arith.addf %add3A_307, %mul3A_335 : vector<16x1024xf32>
      %mul3A_337 = arith.constant 2.500000e-01 : f32
      %mul3A_338 = vector.broadcast %mul3A_337 : f32 to vector<16x1024xf32>
      %mul3A_339 = arith.mulf %mul3A_338, %add3A_315 : vector<16x1024xf32>
      %sub3A_340 = arith.constant 1.000000e+00 : f32
      %sub3A_341 = vector.broadcast %sub3A_340 : f32 to vector<16x1024xf32>
      %sub3A_342 = arith.subf %sub3A_341, %convert_element_type3A_320 : vector<16x1024xf32>
      %mul3A_343 = arith.mulf %mul3A_339, %sub3A_342 : vector<16x1024xf32>
      %add3A_344 = arith.addf %mul3A_343, %add3A_57 : vector<16x1024xf32>
      %gt3A_345 = arith.constant 2.000000e-01 : f32
      %gt3A_346 = vector.broadcast %gt3A_345 : f32 to vector<16x1024xf32>
      %gt3A_347 = arith.cmpf ogt, %add3A_344, %gt3A_346 : vector<16x1024xf32>
      %convert_element_type3A_348 = arith.extui %gt3A_347 : vector<16x1024xi1> to vector<16x1024xi32>
      %convert_element_type3A_349 = arith.sitofp %convert_element_type3A_348 : vector<16x1024xi32> to vector<16x1024xf32>
      %swap3A_350 = arith.constant 0 : index
      %swap3A_351 = arith.constant 0 : index
      %swap3A_352 = arith.constant 10 : index
      %swap3A_353 = arith.constant 0 : index
      %swap3A_354 = vector.load %arg9[%swap3A_350, %swap3A_351, %swap3A_352, %swap3A_353] : memref<1x16x16x1024xf32, #tpu.memory_space<vmem>>, vector<1x16x1x1024xf32>
      %swap3A_355 = vector.shape_cast %swap3A_354 : vector<1x16x1x1024xf32> to vector<16x1024xf32>
      %swap3A_356 = vector.shape_cast %convert_element_type3A_349 : vector<16x1024xf32> to vector<1x16x1x1024xf32>
      tpu.vector_store %arg9[%swap3A_350, %swap3A_351, %swap3A_352, %swap3A_353], %swap3A_356 {strides = array<i32>} : memref<1x16x16x1024xf32, #tpu.memory_space<vmem>>, vector<1x16x1x1024xf32>,
      %get3A_357 = arith.constant 0 : index
      %get3A_358 = arith.constant 0 : index
      %get3A_359 = arith.constant 10 : index
      %get3A_360 = arith.constant 0 : index
      %get3A_361 = vector.load %arg4[%get3A_357, %get3A_358, %get3A_359, %get3A_360] : memref<1x16x16x1024xf32, #tpu.memory_space<vmem>>, vector<1x16x1x1024xf32>
      %get3A_362 = vector.shape_cast %get3A_361 : vector<1x16x1x1024xf32> to vector<16x1024xf32>
      %sub3A_363 = arith.subf %convert_element_type3A_349, %get3A_362 : vector<16x1024xf32>
      %mul3A_364 = arith.mulf %sub3A_363, %sub3A_363 : vector<16x1024xf32>
      %add3A_365 = arith.addf %add3A_336, %mul3A_364 : vector<16x1024xf32>
      %mul3A_366 = arith.constant 2.500000e-01 : f32
      %mul3A_367 = vector.broadcast %mul3A_366 : f32 to vector<16x1024xf32>
      %mul3A_368 = arith.mulf %mul3A_367, %add3A_344 : vector<16x1024xf32>
      %sub3A_369 = arith.constant 1.000000e+00 : f32
      %sub3A_370 = vector.broadcast %sub3A_369 : f32 to vector<16x1024xf32>
      %sub3A_371 = arith.subf %sub3A_370, %convert_element_type3A_349 : vector<16x1024xf32>
      %mul3A_372 = arith.mulf %mul3A_368, %sub3A_371 : vector<16x1024xf32>
      %add3A_373 = arith.addf %mul3A_372, %add3A_57 : vector<16x1024xf32>
      %gt3A_374 = arith.constant 2.000000e-01 : f32
      %gt3A_375 = vector.broadcast %gt3A_374 : f32 to vector<16x1024xf32>
      %gt3A_376 = arith.cmpf ogt, %add3A_373, %gt3A_375 : vector<16x1024xf32>
      %convert_element_type3A_377 = arith.extui %gt3A_376 : vector<16x1024xi1> to vector<16x1024xi32>
      %convert_element_type3A_378 = arith.sitofp %convert_element_type3A_377 : vector<16x1024xi32> to vector<16x1024xf32>
      %swap3A_379 = arith.constant 0 : index
      %swap3A_380 = arith.constant 0 : index
      %swap3A_381 = arith.constant 11 : index
      %swap3A_382 = arith.constant 0 : index
      %swap3A_383 = vector.load %arg9[%swap3A_379, %swap3A_380, %swap3A_381, %swap3A_382] : memref<1x16x16x1024xf32, #tpu.memory_space<vmem>>, vector<1x16x1x1024xf32>
      %swap3A_384 = vector.shape_cast %swap3A_383 : vector<1x16x1x1024xf32> to vector<16x1024xf32>
      %swap3A_385 = vector.shape_cast %convert_element_type3A_378 : vector<16x1024xf32> to vector<1x16x1x1024xf32>
      tpu.vector_store %arg9[%swap3A_379, %swap3A_380, %swap3A_381, %swap3A_382], %swap3A_385 {strides = array<i32>} : memref<1x16x16x1024xf32, #tpu.memory_space<vmem>>, vector<1x16x1x1024xf32>,
      %get3A_386 = arith.constant 0 : index
      %get3A_387 = arith.constant 0 : index
      %get3A_388 = arith.constant 11 : index
      %get3A_389 = arith.constant 0 : index
      %get3A_390 = vector.load %arg4[%get3A_386, %get3A_387, %get3A_388, %get3A_389] : memref<1x16x16x1024xf32, #tpu.memory_space<vmem>>, vector<1x16x1x1024xf32>
      %get3A_391 = vector.shape_cast %get3A_390 : vector<1x16x1x1024xf32> to vector<16x1024xf32>
      %sub3A_392 = arith.subf %convert_element_type3A_378, %get3A_391 : vector<16x1024xf32>
      %mul3A_393 = arith.mulf %sub3A_392, %sub3A_392 : vector<16x1024xf32>
      %add3A_394 = arith.addf %add3A_365, %mul3A_393 : vector<16x1024xf32>
      %mul3A_395 = arith.constant 2.500000e-01 : f32
      %mul3A_396 = vector.broadcast %mul3A_395 : f32 to vector<16x1024xf32>
      %mul3A_397 = arith.mulf %mul3A_396, %add3A_373 : vector<16x1024xf32>
      %sub3A_398 = arith.constant 1.000000e+00 : f32
      %sub3A_399 = vector.broadcast %sub3A_398 : f32 to vector<16x1024xf32>
      %sub3A_400 = arith.subf %sub3A_399, %convert_element_type3A_378 : vector<16x1024xf32>
      %mul3A_401 = arith.mulf %mul3A_397, %sub3A_400 : vector<16x1024xf32>
      %add3A_402 = arith.addf %mul3A_401, %add3A_57 : vector<16x1024xf32>
      %gt3A_403 = arith.constant 2.000000e-01 : f32
      %gt3A_404 = vector.broadcast %gt3A_403 : f32 to vector<16x1024xf32>
      %gt3A_405 = arith.cmpf ogt, %add3A_402, %gt3A_404 : vector<16x1024xf32>
      %convert_element_type3A_406 = arith.extui %gt3A_405 : vector<16x1024xi1> to vector<16x1024xi32>
      %convert_element_type3A_407 = arith.sitofp %convert_element_type3A_406 : vector<16x1024xi32> to vector<16x1024xf32>
      %swap3A_408 = arith.constant 0 : index
      %swap3A_409 = arith.constant 0 : index
      %swap3A_410 = arith.constant 12 : index
      %swap3A_411 = arith.constant 0 : index
      %swap3A_412 = vector.load %arg9[%swap3A_408, %swap3A_409, %swap3A_410, %swap3A_411] : memref<1x16x16x1024xf32, #tpu.memory_space<vmem>>, vector<1x16x1x1024xf32>
      %swap3A_413 = vector.shape_cast %swap3A_412 : vector<1x16x1x1024xf32> to vector<16x1024xf32>
      %swap3A_414 = vector.shape_cast %convert_element_type3A_407 : vector<16x1024xf32> to vector<1x16x1x1024xf32>
      tpu.vector_store %arg9[%swap3A_408, %swap3A_409, %swap3A_410, %swap3A_411], %swap3A_414 {strides = array<i32>} : memref<1x16x16x1024xf32, #tpu.memory_space<vmem>>, vector<1x16x1x1024xf32>,
      %get3A_415 = arith.constant 0 : index
      %get3A_416 = arith.constant 0 : index
      %get3A_417 = arith.constant 12 : index
      %get3A_418 = arith.constant 0 : index
      %get3A_419 = vector.load %arg4[%get3A_415, %get3A_416, %get3A_417, %get3A_418] : memref<1x16x16x1024xf32, #tpu.memory_space<vmem>>, vector<1x16x1x1024xf32>
      %get3A_420 = vector.shape_cast %get3A_419 : vector<1x16x1x1024xf32> to vector<16x1024xf32>
      %sub3A_421 = arith.subf %convert_element_type3A_407, %get3A_420 : vector<16x1024xf32>
      %mul3A_422 = arith.mulf %sub3A_421, %sub3A_421 : vector<16x1024xf32>
      %add3A_423 = arith.addf %add3A_394, %mul3A_422 : vector<16x1024xf32>
      %mul3A_424 = arith.constant 2.500000e-01 : f32
      %mul3A_425 = vector.broadcast %mul3A_424 : f32 to vector<16x1024xf32>
      %mul3A_426 = arith.mulf %mul3A_425, %add3A_402 : vector<16x1024xf32>
      %sub3A_427 = arith.constant 1.000000e+00 : f32
      %sub3A_428 = vector.broadcast %sub3A_427 : f32 to vector<16x1024xf32>
      %sub3A_429 = arith.subf %sub3A_428, %convert_element_type3A_407 : vector<16x1024xf32>
      %mul3A_430 = arith.mulf %mul3A_426, %sub3A_429 : vector<16x1024xf32>
      %add3A_431 = arith.addf %mul3A_430, %add3A_57 : vector<16x1024xf32>
      %gt3A_432 = arith.constant 2.000000e-01 : f32
      %gt3A_433 = vector.broadcast %gt3A_432 : f32 to vector<16x1024xf32>
      %gt3A_434 = arith.cmpf ogt, %add3A_431, %gt3A_433 : vector<16x1024xf32>
      %convert_element_type3A_435 = arith.extui %gt3A_434 : vector<16x1024xi1> to vector<16x1024xi32>
      %convert_element_type3A_436 = arith.sitofp %convert_element_type3A_435 : vector<16x1024xi32> to vector<16x1024xf32>
      %swap3A_437 = arith.constant 0 : index
      %swap3A_438 = arith.constant 0 : index
      %swap3A_439 = arith.constant 13 : index
      %swap3A_440 = arith.constant 0 : index
      %swap3A_441 = vector.load %arg9[%swap3A_437, %swap3A_438, %swap3A_439, %swap3A_440] : memref<1x16x16x1024xf32, #tpu.memory_space<vmem>>, vector<1x16x1x1024xf32>
      %swap3A_442 = vector.shape_cast %swap3A_441 : vector<1x16x1x1024xf32> to vector<16x1024xf32>
      %swap3A_443 = vector.shape_cast %convert_element_type3A_436 : vector<16x1024xf32> to vector<1x16x1x1024xf32>
      tpu.vector_store %arg9[%swap3A_437, %swap3A_438, %swap3A_439, %swap3A_440], %swap3A_443 {strides = array<i32>} : memref<1x16x16x1024xf32, #tpu.memory_space<vmem>>, vector<1x16x1x1024xf32>,
      %get3A_444 = arith.constant 0 : index
      %get3A_445 = arith.constant 0 : index
      %get3A_446 = arith.constant 13 : index
      %get3A_447 = arith.constant 0 : index
      %get3A_448 = vector.load %arg4[%get3A_444, %get3A_445, %get3A_446, %get3A_447] : memref<1x16x16x1024xf32, #tpu.memory_space<vmem>>, vector<1x16x1x1024xf32>
      %get3A_449 = vector.shape_cast %get3A_448 : vector<1x16x1x1024xf32> to vector<16x1024xf32>
      %sub3A_450 = arith.subf %convert_element_type3A_436, %get3A_449 : vector<16x1024xf32>
      %mul3A_451 = arith.mulf %sub3A_450, %sub3A_450 : vector<16x1024xf32>
      %add3A_452 = arith.addf %add3A_423, %mul3A_451 : vector<16x1024xf32>
      %mul3A_453 = arith.constant 2.500000e-01 : f32
      %mul3A_454 = vector.broadcast %mul3A_453 : f32 to vector<16x1024xf32>
      %mul3A_455 = arith.mulf %mul3A_454, %add3A_431 : vector<16x1024xf32>
      %sub3A_456 = arith.constant 1.000000e+00 : f32
      %sub3A_457 = vector.broadcast %sub3A_456 : f32 to vector<16x1024xf32>
      %sub3A_458 = arith.subf %sub3A_457, %convert_element_type3A_436 : vector<16x1024xf32>
      %mul3A_459 = arith.mulf %mul3A_455, %sub3A_458 : vector<16x1024xf32>
      %add3A_460 = arith.addf %mul3A_459, %add3A_57 : vector<16x1024xf32>
      %gt3A_461 = arith.constant 2.000000e-01 : f32
      %gt3A_462 = vector.broadcast %gt3A_461 : f32 to vector<16x1024xf32>
      %gt3A_463 = arith.cmpf ogt, %add3A_460, %gt3A_462 : vector<16x1024xf32>
      %convert_element_type3A_464 = arith.extui %gt3A_463 : vector<16x1024xi1> to vector<16x1024xi32>
      %convert_element_type3A_465 = arith.sitofp %convert_element_type3A_464 : vector<16x1024xi32> to vector<16x1024xf32>
      %swap3A_466 = arith.constant 0 : index
      %swap3A_467 = arith.constant 0 : index
      %swap3A_468 = arith.constant 14 : index
      %swap3A_469 = arith.constant 0 : index
      %swap3A_470 = vector.load %arg9[%swap3A_466, %swap3A_467, %swap3A_468, %swap3A_469] : memref<1x16x16x1024xf32, #tpu.memory_space<vmem>>, vector<1x16x1x1024xf32>
      %swap3A_471 = vector.shape_cast %swap3A_470 : vector<1x16x1x1024xf32> to vector<16x1024xf32>
      %swap3A_472 = vector.shape_cast %convert_element_type3A_465 : vector<16x1024xf32> to vector<1x16x1x1024xf32>
      tpu.vector_store %arg9[%swap3A_466, %swap3A_467, %swap3A_468, %swap3A_469], %swap3A_472 {strides = array<i32>} : memref<1x16x16x1024xf32, #tpu.memory_space<vmem>>, vector<1x16x1x1024xf32>,
      %get3A_473 = arith.constant 0 : index
      %get3A_474 = arith.constant 0 : index
      %get3A_475 = arith.constant 14 : index
      %get3A_476 = arith.constant 0 : index
      %get3A_477 = vector.load %arg4[%get3A_473, %get3A_474, %get3A_475, %get3A_476] : memref<1x16x16x1024xf32, #tpu.memory_space<vmem>>, vector<1x16x1x1024xf32>
      %get3A_478 = vector.shape_cast %get3A_477 : vector<1x16x1x1024xf32> to vector<16x1024xf32>
      %sub3A_479 = arith.subf %convert_element_type3A_465, %get3A_478 : vector<16x1024xf32>
      %mul3A_480 = arith.mulf %sub3A_479, %sub3A_479 : vector<16x1024xf32>
      %add3A_481 = arith.addf %add3A_452, %mul3A_480 : vector<16x1024xf32>
      %mul3A_482 = arith.constant 2.500000e-01 : f32
      %mul3A_483 = vector.broadcast %mul3A_482 : f32 to vector<16x1024xf32>
      %mul3A_484 = arith.mulf %mul3A_483, %add3A_460 : vector<16x1024xf32>
      %sub3A_485 = arith.constant 1.000000e+00 : f32
      %sub3A_486 = vector.broadcast %sub3A_485 : f32 to vector<16x1024xf32>
      %sub3A_487 = arith.subf %sub3A_486, %convert_element_type3A_465 : vector<16x1024xf32>
      %mul3A_488 = arith.mulf %mul3A_484, %sub3A_487 : vector<16x1024xf32>
      %add3A_489 = arith.addf %mul3A_488, %add3A_57 : vector<16x1024xf32>
      %gt3A_490 = arith.constant 2.000000e-01 : f32
      %gt3A_491 = vector.broadcast %gt3A_490 : f32 to vector<16x1024xf32>
      %gt3A_492 = arith.cmpf ogt, %add3A_489, %gt3A_491 : vector<16x1024xf32>
      %convert_element_type3A_493 = arith.extui %gt3A_492 : vector<16x1024xi1> to vector<16x1024xi32>
      %convert_element_type3A_494 = arith.sitofp %convert_element_type3A_493 : vector<16x1024xi32> to vector<16x1024xf32>
      %swap3A_495 = arith.constant 0 : index
      %swap3A_496 = arith.constant 0 : index
      %swap3A_497 = arith.constant 15 : index
      %swap3A_498 = arith.constant 0 : index
      %swap3A_499 = vector.load %arg9[%swap3A_495, %swap3A_496, %swap3A_497, %swap3A_498] : memref<1x16x16x1024xf32, #tpu.memory_space<vmem>>, vector<1x16x1x1024xf32>
      %swap3A_500 = vector.shape_cast %swap3A_499 : vector<1x16x1x1024xf32> to vector<16x1024xf32>
      %swap3A_501 = vector.shape_cast %convert_element_type3A_494 : vector<16x1024xf32> to vector<1x16x1x1024xf32>
      tpu.vector_store %arg9[%swap3A_495, %swap3A_496, %swap3A_497, %swap3A_498], %swap3A_501 {strides = array<i32>} : memref<1x16x16x1024xf32, #tpu.memory_space<vmem>>, vector<1x16x1x1024xf32>,
      %get3A_502 = arith.constant 0 : index
      %get3A_503 = arith.constant 0 : index
      %get3A_504 = arith.constant 15 : index
      %get3A_505 = arith.constant 0 : index
      %get3A_506 = vector.load %arg4[%get3A_502, %get3A_503, %get3A_504, %get3A_505] : memref<1x16x16x1024xf32, #tpu.memory_space<vmem>>, vector<1x16x1x1024xf32>
      %get3A_507 = vector.shape_cast %get3A_506 : vector<1x16x1x1024xf32> to vector<16x1024xf32>
      %sub3A_508 = arith.subf %convert_element_type3A_494, %get3A_507 : vector<16x1024xf32>
      %mul3A_509 = arith.mulf %sub3A_508, %sub3A_508 : vector<16x1024xf32>
      %add3A_510 = arith.addf %add3A_481, %mul3A_509 : vector<16x1024xf32>
      %get3A_511 = arith.constant 0 : index
      %get3A_512 = arith.constant 0 : index
      %get3A_513 = vector.load %arg14[%get3A_511, %get3A_512] : memref<1x1xf32, #tpu.memory_space<vmem>>, vector<1x1xf32>
      %reduce_sum3A = vector.shape_cast %add3A_510 : vector<16x1024xf32> to vector<1x16x1024xf32>
      %reduce_sum3A_514 = arith.constant dense<0.000000e+00> : vector<1xf32>
      %reduce_sum3A_515 = vector.multi_reduction <add>, %reduce_sum3A, %reduce_sum3A_514 [1, 2] : vector<1x16x1024xf32> to vector<1xf32>
      %reduce_sum3A_516 = vector.shape_cast %reduce_sum3A_515 : vector<1xf32> to vector<1x1x1xf32>
      %reduce_sum3A_517 = vector.extract %reduce_sum3A_516[0, 0, 0] : f32 from vector<1x1x1xf32>
      %broadcast_in_dim3A = vector.broadcast %reduce_sum3A_517 : f32 to vector<1x1xf32>
      %add3A_518 = arith.addf %get3A_513, %broadcast_in_dim3A : vector<1x1xf32>
      %swap3A_519 = arith.constant 0 : index
      %swap3A_520 = arith.constant 0 : index
      %swap3A_521 = vector.load %arg14[%swap3A_519, %swap3A_520] : memref<1x1xf32, #tpu.memory_space<vmem>>, vector<1x1xf32>
      tpu.vector_store %arg14[%swap3A_519, %swap3A_520], %add3A_518 {strides = array<i32>} : memref<1x1xf32, #tpu.memory_space<vmem>>, vector<1x1xf32>,
      %eq3A_522 = arith.constant 7 : i32
      %eq3A_523 = arith.cmpi eq, %arg1, %eq3A_522 : i32
      %convert_element_type3A_524 = arith.extui %eq3A_523 : i1 to i32
      %cond3A_525 = arith.constant 0 : i32
      %cond3A_526 = arith.cmpi ne, %convert_element_type3A_524, %cond3A_525 : i32
      scf.if %cond3A_526 {
        %get3A_527 = arith.constant 0 : index
        %get3A_528 = arith.constant 0 : index
        %get3A_529 = vector.load %arg13[%get3A_527, %get3A_528] : memref<1x1xf32, #tpu.memory_space<vmem>>, vector<1x1xf32>
        %mul3A_530 = arith.constant 1.500000e+00 : f32
        %mul3A_531 = vector.broadcast %mul3A_530 : f32 to vector<1x1xf32>
        %mul3A_532 = arith.mulf %mul3A_531, %get3A_529 : vector<1x1xf32>
        %mul3A_533 = arith.constant 7.62939453E-6 : f32
        %mul3A_534 = vector.broadcast %mul3A_533 : f32 to vector<1x1xf32>
        %mul3A_535 = arith.mulf %mul3A_532, %mul3A_534 : vector<1x1xf32>
        %get3A_536 = arith.constant 0 : index
        %get3A_537 = arith.constant 0 : index
        %get3A_538 = vector.load %arg14[%get3A_536, %get3A_537] : memref<1x1xf32, #tpu.memory_space<vmem>>, vector<1x1xf32>
        %mul3A_539 = arith.constant 4.76837158E-7 : f32
        %mul3A_540 = vector.broadcast %mul3A_539 : f32 to vector<1x1xf32>
        %mul3A_541 = arith.mulf %get3A_538, %mul3A_540 : vector<1x1xf32>
        %add3A_542 = arith.addf %mul3A_535, %mul3A_541 : vector<1x1xf32>
        %broadcast_in_dim3A_543 = vector.shape_cast %add3A_542 : vector<1x1xf32> to vector<1x1xf32>
        %broadcast_in_dim3A_544 = vector.broadcast %broadcast_in_dim3A_543 : vector<1x1xf32> to vector<8x128xf32>
        %swap3A_545 = arith.constant 0 : index
        %swap3A_546 = arith.constant 0 : index
        %swap3A_547 = vector.load %arg10[%swap3A_545, %swap3A_546] : memref<8x128xf32, #tpu.memory_space<vmem>>, vector<8x128xf32>
        tpu.vector_store %arg10[%swap3A_545, %swap3A_546], %broadcast_in_dim3A_544 {strides = array<i32>} : memref<8x128xf32, #tpu.memory_space<vmem>>, vector<8x128xf32>,
      } else {
      }
    } else {
    }
    return
  }
  func.func @transform_0(%arg0: i32, %arg1: i32) -> (i32, i32, i32) {
    %c0_i32 = arith.constant 0 : i32
    %c0_i32_0 = arith.constant 0 : i32
    %c0_i32_1 = arith.constant 0 : i32
    return %arg1, %c0_i32, %c0_i32_0 : i32, i32, i32
  }
  func.func @transform_1(%arg0: i32, %arg1: i32) -> (i32, i32) {
    %c0_i32 = arith.constant 0 : i32
    %c0_i32_0 = arith.constant 0 : i32
    return %arg1, %c0_i32 : i32, i32
  }
  func.func @transform_2(%arg0: i32, %arg1: i32) -> (i32, i32, i32, i32) {
    %mul3A = arith.muli %arg1, %arg0 : i32
    %c0_i32 = arith.constant 0 : i32
    %c0_i32_0 = arith.constant 0 : i32
    %c0_i32_1 = arith.constant 0 : i32
    %c0_i32_2 = arith.constant 0 : i32
    return %mul3A, %c0_i32, %c0_i32_0, %c0_i32_1 : i32, i32, i32, i32
  }
  func.func @transform_3(%arg0: i32, %arg1: i32) -> (i32, i32) {
    %c0_i32 = arith.constant 0 : i32
    %c0_i32_0 = arith.constant 0 : i32
    %c0_i32_1 = arith.constant 0 : i32
    return %c0_i32, %c0_i32_0 : i32, i32
  }
  func.func @transform_4(%arg0: i32, %arg1: i32) -> (i32, i32) {
    %c0_i32 = arith.constant 0 : i32
    %c0_i32_0 = arith.constant 0 : i32
    %c0_i32_1 = arith.constant 0 : i32
    return %c0_i32, %c0_i32_0 : i32, i32
  }
  func.func @transform_5(%arg0: i32, %arg1: i32) -> (i32, i32) {
    %c0_i32 = arith.constant 0 : i32
    %c0_i32_0 = arith.constant 0 : i32
    %c0_i32_1 = arith.constant 0 : i32
    return %c0_i32, %c0_i32_0 : i32, i32
  }
  func.func @transform_6(%arg0: i32, %arg1: i32) -> (i32, i32) {
    %c0_i32 = arith.constant 0 : i32
    %c0_i32_0 = arith.constant 0 : i32
    %c0_i32_1 = arith.constant 0 : i32
    return %c0_i32, %c0_i32_0 : i32, i32
  }
  func.func @transform_7(%arg0: i32, %arg1: i32) -> (i32, i32, i32, i32) {
    %mul3A = arith.muli %arg1, %arg0 : i32
    %c0_i32 = arith.constant 0 : i32
    %c0_i32_0 = arith.constant 0 : i32
    %c0_i32_1 = arith.constant 0 : i32
    %c0_i32_2 = arith.constant 0 : i32
    return %mul3A, %c0_i32, %c0_i32_0, %c0_i32_1 : i32, i32, i32, i32
  }
  func.func @transform_8(%arg0: i32, %arg1: i32) -> (i32, i32) {
    %c0_i32 = arith.constant 0 : i32
    %c0_i32_0 = arith.constant 0 : i32
    %c0_i32_1 = arith.constant 0 : i32
    return %c0_i32, %c0_i32_0 : i32, i32
  }
}

</mosaic_0001>

<sc_bundles>
// kernel: kernel.5.cloned.1.call-start
scs
__scs_entry_jumppad:
0x0: {  	(pc) =	sbr.rel $0x88, $3  }
0x1: {  	(tag) =	ssettag $0x0;
	lr =	simm.s32 $0x1  }
0x2: {  	[smem:$0x3F9B] =	sst lr;
	_ =	strace $0xD0000000  }
0x3: {  	_ = 	snop  }
0x4: {  	_ = 	snop  }
0x5: {  	_ = 	snop  }
0x6: {  	_ = 	snop  }
0x7: {  	_ = 	snop  }
__scs_overlays_trampoline_lowered:
0x8: {  	[smem:$0x3FAA] =	sst s0  }
0x9: {  	[smem:$0x3FAB] =	sst s1  }
0xa: {  	[smem:$0x3FAC] =	sst s2  }
0xb: {  	[smem:$0x3FAD] =	sst s3  }
0xc: {  	[smem:$0x3FAE] =	sst s4  }
0xd: {  	[smem:$0x3FAF] =	sst s5  }
0xe: {  	[smem:$0x3FB0] =	sst s6  }
0xf: {  	[smem:$0x3FB1] =	sst s7  }
0x10: {  	[smem:$0x3FB2] =	sst s8  }
0x11: {  	[smem:$0x3FB3] =	sst s9;
	s0 =	simm.s32 @!p0 $0x0  }
0x12: {  	s1 =	sld [smem:$0x3F99];
	s0 =	simm.s32 @p0 $0x1  }
0x13: {  	[smem:$0x3FB4] =	sst s0;
	s0 =	simm.s32 @!p1 $0x0  }
0x14: {  	s2 =	sld [smem:$0x3F98];
	s0 =	simm.s32 @p1 $0x1  }
0x15: {  	[smem:$0x3FB5] =	sst s0;
	s0 =	simm.s32 @!p2 $0x0  }
0x16: {  	s3 =	sld [smem:$0x3FDB];
	s0 =	simm.s32 @p2 $0x1  }
0x17: {  	s4 =	simm.s32 $0x1BF5;
	[smem:$0x3FB7] =	sst s0  }
0x18: {  	s0 =	sld [smem:$0x3F9A];
	_ =	swait.ge [sflag:s4], $0x0  }
0x19: {  	s7 =	sld [smem:$0x3F9B]  }
0x1a: {  	s8 =	sadd.s32 $0xFFFFE003, lr  }
0x1b: {  	s9 =	sadd.s32 $0xFFFFFEF7, lr;
	s5 =	simm.s32 $0xFFFFFFFF;
	p2 =	slt.u32 s8, $0xFFFFF086  }
0x1c: {  	p1 =	slt.u32 s9, $0xF7A;
	s5 =	simm.s32 @!p2 $0x0  }
0x1d: {  	s5 =	simm.s32 @p1 $0x1;
	p0 =	seq.s32 s7, s2  }
0x1e: {  	s7 =	smul.u32 @!p0 $0xF7A, s2;
	p2 =	seq.s32 @!p0 s5, $0x0  }
0x1f: {  	s9 =	smul.u32 $0xF7A, s1;
	s8 =	simm.s32 @!p0 $0x1BF5;
	p2 =	por !p2, p0  }
0x20: {  	[sflag:s8] =	ssyncset.s32 @!p0 $0xFFFFF086;
	s6 =	sadd.s32 @!p0 s3, s7;
	s7 =	simm.s32 @!p0 $0x108  }
0x21: {  	s3 =	sadd.s32 s3, s9;
	s6 =	sadd.s32 @!p0 $0x88, s6;
	s7 =	simm.s32 @p2 $0x1082  }
0x22: {  	[simem:s7], [sflag:s8] =	dma.local @!p0 [hbm:s6], $0xF7A  }
0x23: {  	s9 =	sor.u32 $0xD0000000, s2;
	s6 =	simm.s32 $0x108;
	_ =	swait.ge @!p0 [sflag:s8], $0x0  }
0x24: {  	s3 =	sadd.s32 $0x88, s3;
	s6 =	simm.s32 @!p1 $0x1082;
	[sflag:s4] =	ssyncset.s32 $0xFFFFF086  }
0x25: {  	[simem:s6], [sflag:s4] =	dma.local [hbm:s3], $0xF7A  }
0x26: {  	[smem:$0x3F9B] =	sst s1;
	(tag) =	ssettag s2;
	_ =	strace s9  }
0x27: {  	s1 =	sld [smem:$0x3FAB]  }
0x28: {  	s2 =	sld [smem:$0x3FAC]  }
0x29: {  	s4 =	sld [smem:$0x3FAE]  }
0x2a: {  	p0 =	seq.s32 s5, $0x0;
	s5 =	sld [smem:$0x3FAF]  }
0x2b: {  	s6 =	sld [smem:$0x3FB0]  }
0x2c: {  	s7 =	sld [smem:$0x3FB1]  }
0x2d: {  	s3 =	simm.s32 $0x108;
	s8 =	sld [smem:$0x3FB2]  }
0x2e: {  	s3 =	simm.s32 @!p0 $0x1082;
	s9 =	sld [smem:$0x3FB3]  }
0x2f: {  	lr =	sadd.s32 s0, s3;
	s0 =	sld [smem:$0x3FAA]  }
0x30: {  	s3 =	sld [smem:$0x3FAD]  }
0x31: {  	[smem:$0x3FB6] =	sst s10  }
0x32: {  	s10 =	sld [smem:$0x3FB4];
	_ =	sdelay $0x3  }
0x33: {  	p0 =	seq.s32 s10, $0x1;
	s10 =	sld [smem:$0x3FB6];
	_ =	sdelay $0x3  }
0x34: {  	[smem:$0x3FB6] =	sst s10  }
0x35: {  	s10 =	sld [smem:$0x3FB5];
	_ =	sdelay $0x3  }
0x36: {  	p1 =	seq.s32 s10, $0x1;
	s10 =	sld [smem:$0x3FB6];
	_ =	sdelay $0x3  }
0x37: {  	[smem:$0x3FB6] =	sst s10  }
0x38: {  	s10 =	sld [smem:$0x3FB7]  }
0x39: {  	_ = 	snop;
	(pc) =	sbr.ind lr, $3  }
0x3a: {  	_ = 	snop  }
0x3b: {  	_ = 	snop  }
0x3c: {  	p2 =	seq.s32 s10, $0x1;
	s10 =	sld [smem:$0x3FB6]  }
0x3d: {  	_ =	shalt  }
0x3e: {  	_ =	shalt  }
0x3f: {  	_ =	shalt  }
0x40: {  	_ =	shalt  }
0x41: {  	_ =	shalt  }
0x42: {  	_ =	shalt  }
0x43: {  	_ =	shalt  }
0x44: {  	_ =	shalt  }
0x45: {  	_ =	shalt  }
0x46: {  	_ =	shalt  }
0x47: {  	_ =	shalt  }
0x48: {  	_ =	shalt  }
0x49: {  	_ =	shalt  }
0x4a: {  	_ =	shalt  }
0x4b: {  	_ =	shalt  }
0x4c: {  	_ =	shalt  }
0x4d: {  	_ =	shalt  }
0x4e: {  	_ =	shalt  }
0x4f: {  	_ =	shalt  }
0x50: {  	_ =	shalt  }
0x51: {  	_ =	shalt  }
0x52: {  	_ =	shalt  }
0x53: {  	_ =	shalt  }
0x54: {  	_ =	shalt  }
0x55: {  	_ =	shalt  }
0x56: {  	_ =	shalt  }
0x57: {  	_ =	shalt  }
0x58: {  	_ =	shalt  }
0x59: {  	_ =	shalt  }
0x5a: {  	_ =	shalt  }
0x5b: {  	_ =	shalt  }
0x5c: {  	_ =	shalt  }
0x5d: {  	_ =	shalt  }
0x5e: {  	_ =	shalt  }
0x5f: {  	_ =	shalt  }
0x60: {  	_ =	shalt  }
0x61: {  	_ =	shalt  }
0x62: {  	_ =	shalt  }
0x63: {  	_ =	shalt  }
0x64: {  	_ =	shalt  }
0x65: {  	_ =	shalt  }
0x66: {  	_ =	shalt  }
0x67: {  	_ =	shalt  }
0x68: {  	_ =	shalt  }
0x69: {  	_ =	shalt  }
0x6a: {  	_ =	shalt  }
0x6b: {  	_ =	shalt  }
0x6c: {  	_ =	shalt  }
0x6d: {  	_ =	shalt  }
0x6e: {  	_ =	shalt  }
0x6f: {  	_ =	shalt  }
0x70: {  	_ =	shalt  }
0x71: {  	_ =	shalt  }
0x72: {  	_ =	shalt  }
0x73: {  	_ =	shalt  }
0x74: {  	_ =	shalt  }
0x75: {  	_ =	shalt  }
0x76: {  	_ =	shalt  }
0x77: {  	_ =	shalt  }
0x78: {  	_ =	shalt  }
0x79: {  	_ =	shalt  }
0x7a: {  	_ =	shalt  }
0x7b: {  	_ =	shalt  }
0x7c: {  	_ =	shalt  }
0x7d: {  	_ =	shalt  }
0x7e: {  	_ =	shalt  }
0x7f: {  	_ =	shalt  }
0x80: {  	_ =	shalt  }
0x81: {  	_ =	shalt  }
0x82: {  	_ =	shalt  }
0x83: {  	_ =	shalt  }
0x84: {  	_ =	shalt  }
0x85: {  	_ =	shalt  }
0x86: {  	_ =	shalt  }
0x87: {  	_ =	shalt  }
.Lfunc_end0:
.L_simem_size_0:
called_computation_lowered:
.L_overlay_start_0:
0x88: {  	s2 =	sld [smem:$0x3FD9]  }
0x89: {  	s3 =	sld [smem:$0x3FFE];
	_ =	sdelay $0x1  }
0x8a: {  	s1 =	srdreg.scid  }
0x8b: {  	s0 =	sand.u32 $0x1, s1  }
0x8c: {  	s16 =	sshll.u32 s0, $0xA;
	s2 =	sadd.s32 s3, s2  }
0x8d: {  	s2 =	sadd.s32 s2, s16  }
0x8e: {  	[smem:$0x3FC2] =	sst s2  }
0x8f: {  	_ = 	snop  }
0x90: {  	(tm) =	ssettm $0x1  }
0x91: {  	s17 =	sld [smem:$0x3FFB];
	_ =	sdelay $0x3  }
0x92: {  	_ =	strace s17  }
0x93: {  	s2 =	sld [smem:$0x3FFC];
	_ =	sdelay $0x3  }
0x94: {  	_ =	strace s2  }
0x95: {  	s2 =	sld [smem:$0x3FFD];
	_ =	sdelay $0x3  }
0x96: {  	_ =	strace s2  }
0x97: {  	_ =	strace $0x8FFFFFFF  }
0x98: {  	s18 =	sld [smem:$0x3FDB];
	_ =	sdelay $0x1  }
0x99: {  	s19 =	simm.s32 $_scs_section_size  }
0x9a: {  	s4 =	simm.s32 $_size__tile_overlayer_lowered;
	s5 =	simm.s32 $_tile_overlayer_lowered  }
0x9b: {  	s22 =	simm.s32 $0x1BFF;
	s21 =	sshll.u32 s5, $0x1;
	s2 =	sadd.s32 s19, s18  }
0x9c: {  	s6 =	simm.s32 $0x0;
	s20 =	sshll.u32 s4, $0x1;
	s4 =	sadd.s32 s21, s2  }
0x9d: {  	[timem:s6], [sflag:s22] =	dma.local [hbm:s4], s20  }
0x9e: {  	_ =	swait.ge [sflag:s22], s20  }
0x9f: {  	s3 =	ssub.s32 $0x0, s20;
	[sflag:s22] =	ssyncset.done $0x0  }
0xa0: {  	[sflag:s22] =	ssyncadd.s32 s3;
	_ =	sdelay $0x1  }
0xa1: {  	s23 =	simm.s32 $0x1B8B  }
0xa2: {  	_ =	swait.ge [sflag:s23], $0x1  }
0xa3: {  	[sflag:s23] =	ssyncset.done $0x0  }
0xa4: {  	s25 =	simm.s32 $0x1B8E;
	s24 =	sld [smem:$0x3FFE];
	[sflag:s23] =	ssyncadd.s32 $0xFFFFFFFF  }
0xa5: {  	s26 =	simm.s32 $execute0_lowered;
	[smem:$0x3FD2] =	sst s25  }
0xa6: {  	s4 =	sshll.u32 s26, $0x1;
	_ =	strace $0x80000046;
	[dreg:$0x1] =	wrdreg $0xFFFFFFFF  }
0xa7: {  	s28 =	simm.s32 $_size_execute0_lowered;
	s2 =	sadd.s32 s2, s4;
	[dreg:$0x0] =	wrdreg $0x0  }
0xa8: {  	s4 =	sshll.u32 s28, $0x1;
	[dreg:$0x2] =	wrdreg s2  }
0xa9: {  	[dreg:$0x3] =	wrdreg s4  }
0xaa: {  	[dreg:$0x4] =	wrdreg $0xC0  }
0xab: {  	_ =	task [dreg:s6], $0x5FFFF  }
0xac: {  	[dreg:$0x1] =	wrdreg $0xFFFFFFFF  }
0xad: {  	[dreg:$0x0] =	wrdreg $0x60  }
0xae: {  	[dreg:$0x2] =	wrdreg s24  }
0xaf: {  	[dreg:$0x3] =	wrdreg $0x9  }
0xb0: {  	_ =	task.clear_ibuf [dreg:s6], $0x4FFFF;
	_ =	strace $0x90000046  }
0xb1: {  	s29 =	simm.s32 $0x9;
	_ =	strace $0x80000048  }
0xb2: {  	_ =	swait.ge [sflag:s29], $0x1  }
0xb3: {  	[sflag:s29] =	ssyncadd.s32 $0xFFFFFFFF  }
0xb4: {  	_ =	strace $0x90000048  }
0xb5: {  	_ =	sfence  }
0xb6: {  	s30 =	sld [smem:$0x0];
	_ =	sdelay $0x2  }
0xb7: {  	s31 =	sshll.u32 s1, $0xD;
	s1 =	sshrl.u32 s1, $0x2  }
0xb8: {  	s3 =	sand.u32 $0x4000, s31;
	s1 =	sadd.s32 s1, s30  }
0xb9: {  	s0 =	sor.u32 s3, s0;
	s1 =	sshll.u32 s1, $0x11  }
0xba: {  	s0 =	sor.u32 s1, s0  }
0xbb: {  	s0 =	sadd.s32 $0x8F2B, s0  }
0xbc: {  	[sflag:s0] =	ssyncadd.remote.s32 $0x1  }
0xbd: {  	_ =	sfence.sel $0xFFFF  }
0xbe: {  	[dreg:$0x0] =	wrdreg $0xFFFFFFFF;
	(pc) =	sbr.abs _section_cstart, $3  }
0xbf: {  	[dreg:$0x1] =	wrdreg $0xFFFFFFFF  }
0xc0: {  	_ =	task.clear_ibuf [dreg:s6], $0x2FFFF;
	_ =	strace $0x9FFFFFFF  }
0xc1: {  	(tm) =	ssettm $0x7FFFFFFF  }
tec
execute0_lowered:
.L_overlay_start_1:
0x0: {  	(tag) =	ssettag $0x1  }
0x1: {  	s1 =	srdreg.scid  }
0x2: {  	s0 =	stileid.u32;
	s10 =	sand.u32 $0x1, s1  }
0x3: {  	s2 =	rddreg [dreg:$0x0];
	s4 =	sshll.u32 s0, $0x9;
	s5 =	sshll.u32 s10, $0x8  }
0x4: {  	s3 =	simm.s32 $0x0;
	s1 =	rddreg [dreg:$0x1];
	s9 =	sor.u32 s5, s4  }
0x5: {  	[smem:$0x7FF] =	sst s3;
	s11 =	sadd.s32 $0x4000, s2;
	s4 =	sshrl.u32 s9, $0x3  }
0x6: {  	_ =	strace $0x80000047;
	s5 =	sadd.s32 s11, s4;
	s4 =	simm.s32 $0x2  }
0x7: {  	[tilespmem:s3], [sflag:$0x2] =	stream.linear.gather [hbm4b:s5+s3], $0x80, $0x38;
	[tilespmem:$0x880] =	vst v63  }
0x8: {  	_ =	swait.ge [sflag:s4], $0x80  }
0x9: {  	[sflag:s4] =	ssyncset.done $0x0  }
0xa: {  	s6 =	simm.s32 $0x80;
	s7 =	simm.s32 $0x1;
	[sflag:s4] =	ssyncadd.s32 $0xFFFFFF80  }
0xb: {  	[tilespmem:s6], [sflag:$0x1] =	stream.indirect.gather [hbm4b:s2+s6], $0x10, s3, s6, $0xb8;
	[tilespmem:$0x880] =	vst v63  }
0xc: {  	_ =	swait.ge [sflag:s7], $0x800  }
0xd: {  	s12 =	sadd.s32 $0x4400, s2;
	s8 =	sshll.u32 s9, $0x1;
	[sflag:s7] =	ssyncset.done $0x0  }
0xe: {  	s8 =	sadd.s32 s12, s8;
	[sflag:s7] =	ssyncadd.s32 $0xFFFFF800  }
0xf: {  	[hbm4b:s8+s3] =	stream.linear.scatter [tilespmem:s6], [sflag:$0x2], $0x800, $0x38;
	[tilespmem:$0x880] =	vst v63  }
0x10: {  	s13 =	sor.u32 $0x80, s9;
	_ =	swait.ge [sflag:s4], $0x800  }
0x11: {  	s9 =	sshrl.u32 s13, $0x3;
	[sflag:s4] =	ssyncset.done $0x0  }
0x12: {  	s10 =	ssub.s32 $0x2, s10;
	s9 =	sadd.s32 s11, s9;
	[sflag:s4] =	ssyncadd.s32 $0xFFFFF800  }
0x13: {  	[tilespmem:s3], [sflag:$0x2] =	stream.linear.gather [hbm4b:s9+s3], $0x80, $0x38;
	[tilespmem:$0x880] =	vst v63  }
0x14: {  	s30 =	sshrl.u32 s10, $0x1;
	_ =	swait.ge [sflag:s4], $0x80  }
0x15: {  	s11 =	ssub.s32 s10, s30;
	[sflag:s4] =	ssyncset.done $0x0  }
0x16: {  	s11 =	smax.u32 s11, $0x1;
	[sflag:s4] =	ssyncadd.s32 $0xFFFFFF80  }
0x17: {  	[tilespmem:s6], [sflag:$0x1] =	stream.indirect.gather [hbm4b:s2+s6], $0x10, s3, s6, $0xb8;
	[tilespmem:$0x880] =	vst v63  }
0x18: {  	p0 =	sne.s32 s11, $0x1;
	_ =	swait.ge [sflag:s7], $0x800  }
.Ltmp0:
0x19: {  	s31 =	sshll.u32 s13, $0x1;
	[sflag:s7] =	ssyncset.done $0x0;
	(pc) =	sbr.rel @!p0 .LBB2_2-.Ltmp0, $4  }
0x1a: {  	s10 =	sadd.s32 s12, s31;
	[sflag:s7] =	ssyncadd.s32 $0xFFFFF800  }
0x1b: {  	[hbm4b:s10+s3] =	stream.linear.scatter [tilespmem:s6], [sflag:$0x2], $0x800, $0x38;
	[tilespmem:$0x880] =	vst v63  }
0x1c: {  	_ =	swait.ge [sflag:s4], $0x800  }
0x1d: {  	s11 =	sadd.s32 $0xFFFFFFFF, s11;
	[sflag:s4] =	ssyncset.done $0x0  }
.LBB2_1:
0x1e: {  	p0 =	sne.s32 s11, $0x1;
	s11 =	sadd.s32 $0xFFFFFFFF, s11;
	[sflag:s4] =	ssyncadd.s32 $0xFFFFF800  }
0x1f: {  	[tilespmem:s3], [sflag:$0x2] =	stream.linear.gather [hbm4b:s5+s3], $0x80, $0x38;
	[tilespmem:$0x880] =	vst v63  }
0x20: {  	_ =	swait.ge [sflag:s4], $0x80  }
0x21: {  	[sflag:s4] =	ssyncset.done $0x0  }
0x22: {  	[sflag:s4] =	ssyncadd.s32 $0xFFFFFF80  }
0x23: {  	[tilespmem:s6], [sflag:$0x1] =	stream.indirect.gather [hbm4b:s2+s6], $0x10, s3, s6, $0xb8;
	[tilespmem:$0x880] =	vst v63  }
0x24: {  	_ =	swait.ge [sflag:s7], $0x800  }
0x25: {  	[sflag:s7] =	ssyncset.done $0x0  }
0x26: {  	[sflag:s7] =	ssyncadd.s32 $0xFFFFF800  }
0x27: {  	[hbm4b:s8+s3] =	stream.linear.scatter [tilespmem:s6], [sflag:$0x2], $0x800, $0x38;
	[tilespmem:$0x880] =	vst v63  }
0x28: {  	_ =	swait.ge [sflag:s4], $0x800  }
0x29: {  	[sflag:s4] =	ssyncset.done $0x0  }
0x2a: {  	[sflag:s4] =	ssyncadd.s32 $0xFFFFF800  }
0x2b: {  	[tilespmem:s3], [sflag:$0x2] =	stream.linear.gather [hbm4b:s9+s3], $0x80, $0x38;
	[tilespmem:$0x880] =	vst v63  }
0x2c: {  	_ =	swait.ge [sflag:s4], $0x80  }
0x2d: {  	[sflag:s4] =	ssyncset.done $0x0  }
0x2e: {  	[sflag:s4] =	ssyncadd.s32 $0xFFFFFF80  }
0x2f: {  	[tilespmem:s6], [sflag:$0x1] =	stream.indirect.gather [hbm4b:s2+s6], $0x10, s3, s6, $0xb8;
	[tilespmem:$0x880] =	vst v63  }
0x30: {  	_ =	swait.ge [sflag:s7], $0x800  }
.Ltmp1:
0x31: {  	[sflag:s7] =	ssyncset.done $0x0;
	(pc) =	sbr.rel @p0 .LBB2_1-.Ltmp1, $4  }
0x32: {  	[sflag:s7] =	ssyncadd.s32 $0xFFFFF800  }
0x33: {  	[hbm4b:s10+s3] =	stream.linear.scatter [tilespmem:s6], [sflag:$0x2], $0x800, $0x38;
	[tilespmem:$0x880] =	vst v63  }
0x34: {  	_ =	swait.ge [sflag:s4], $0x800  }
0x35: {  	[sflag:s4] =	ssyncset.done $0x0  }
.LBB2_2:
0x36: {  	[sflag:s4] =	ssyncadd.s32 $0xFFFFF800  }
0x37: {  	_ =	sfence.sel $0x180000  }
0x38: {  	[bflag:$0x0] =	sbarrier.arrive $0xFFFF  }
0x39: {  	p0 =	sne.s32 s0, $0x0;
	_ =	strace $0x90000047  }
0x3a: {  	s0 =	sadd.s32 @!p0 $0x100000, s1;
	[bflag:$0x2] =	sbarrier.arrive $0xFFFF  }
0x3b: {  	[sflag:s0] =	ssyncadd.tile.s32 @!p0 $0x1;
	_ =	shalt  }
.Lfunc_end2:
_tile_overlayer_lowered:
.L_overlay_start_2:
0x3c: {  	(tag) =	ssettag $0x2  }
0x3d: {  	s0 =	rddreg [dreg:$0x0];
	s2 =	stileid.u32  }
0x3e: {  	s1 =	rddreg [dreg:$0x1];
	p0 =	sne.s32 s2, $0x0  }
0x3f: {  	s3 =	rddreg [dreg:$0x2];
	[bflag:$0x3] =	sbarrier.arrive $0xFFFF;
	s2 =	simm.s32 @!p0 $0x1C02  }
0x40: {  	[timem:s3], [sflag:s2] =	dma.local @!p0 [hbm:s0], s1  }
0x41: {  	s0 =	simm.s32 @!p0 $0x2  }
0x42: {  	_ =	swait.ge @!p0 [sflag:s0], s1  }
0x43: {  	s1 =	ssub.s32 @!p0 $0x0, s1;
	[sflag:s0] =	ssyncset.done @!p0 $0x0  }
0x44: {  	[sflag:s0] =	ssyncadd.s32 @!p0 s1  }
0x45: {  	[bflag:$0x3] =	sbarrier.arrive $0xFFFF  }
0x46: {  	_ =	shalt  }

</sc_bundles>
